<compile_context>
chip_gen: v7x
topology: tpu7x:2x2x1
jax: 0.10.2.dev20260603
libtpu: 0.0.44.dev20260713+nightly
codegen_flags: <defaults>
</compile_context>

<pallas_src>
import functools

import jax
import jax.numpy as jnp
from jax import lax
from jax.experimental import pallas as pl
from jax.experimental.pallas import tpu as pltpu
from jax.experimental.pallas import tpu_sc as plsc

B = 16
N = 1024
C = 64
K = 20
EPS = 1e-5
NEG = -3e38
R = 512
NR = N // R
HALF = N // 2


def _topk_body(d_ref, idx_ref):
    d = d_ref[0]
    iota = lax.broadcasted_iota(jnp.int32, (R, N), 1)
    for t in range(K):
        rowmax = jnp.max(d, axis=1, keepdims=True)
        cand = jnp.where(d == rowmax, iota, jnp.int32(2**30))
        amin = jnp.min(cand, axis=1, keepdims=True)
        idx_ref[0, :, pl.ds(t, 1)] = amin
        d = jnp.where(cand == amin, NEG, d)


def _topk_from_dist(dist):
    return pl.pallas_call(
        _topk_body,
        grid=(B, NR),
        in_specs=[pl.BlockSpec((1, R, N), lambda b, r: (b, r, 0))],
        out_specs=pl.BlockSpec((1, R, K), lambda b, r: (b, r, 0)),
        out_shape=jax.ShapeDtypeStruct((B, N, K), jnp.int32),
    )(dist)


def _knn_idx(h):
    inner = -2.0 * jnp.einsum('bcn,bcm->bnm', h, h)
    xx = jnp.sum(h * h, axis=1)
    dist = -xx[:, :, None] - inner - xx[:, None, :]
    return _topk_from_dist(dist)


def _conv_body(h_ref, w_ref, y_ref):
    y_ref[0] = jnp.dot(w_ref[...], h_ref[0], preferred_element_type=jnp.float32)


def _conv(h, W):
    return pl.pallas_call(
        _conv_body,
        grid=(B,),
        in_specs=[
            pl.BlockSpec((1, C, N), lambda b: (b, 0, 0)),
            pl.BlockSpec((C, C), lambda b: (0, 0)),
        ],
        out_specs=pl.BlockSpec((1, C, N), lambda b: (b, 0, 0)),
        out_shape=jax.ShapeDtypeStruct((B, C, N), jnp.float32),
    )(h, W)


@functools.partial(
    pl.kernel,
    mesh=plsc.VectorSubcoreMesh(core_axis_name="c", subcore_axis_name="s"),
    compiler_params=pltpu.CompilerParams(needs_layout_passes=False),
    out_type=(
        jax.ShapeDtypeStruct((B, 2, C * HALF), jnp.float32),
        jax.ShapeDtypeStruct((32, 2, C * 16), jnp.float32),
    ),
    scratch_types=[
        pltpu.VMEM((C * N,), jnp.float32),
        pltpu.VMEM((K * HALF,), jnp.int32),
        pltpu.VMEM((C * HALF,), jnp.float32),
        pltpu.VMEM((C * 16,), jnp.float32),
        pltpu.VMEM((C * 16,), jnp.float32),
    ],
)
def _sc_gathermax(y_hbm, idx_hbm, m_hbm, sp_hbm, yv, idxv, mv, s1v, s2v):
    b = lax.axis_index("s")
    half = lax.axis_index("c")
    wid = b * 2 + half
    pltpu.sync_copy(y_hbm.at[b], yv)
    pltpu.sync_copy(idx_hbm.at[b, half], idxv)

    def z_body(c, carry):
        off = pl.multiple_of(c * 16, 16)
        s1v[pl.ds(off, 16)] = jnp.zeros((16,), jnp.float32)
        s2v[pl.ds(off, 16)] = jnp.zeros((16,), jnp.float32)
        return carry

    lax.fori_loop(0, C, z_body, 0)

    def n0_body(n0, carry):
        nb = pl.multiple_of(n0 * 16, 16)
        ridx = [idxv[pl.ds(k * HALF + nb, 16)] for k in range(K)]

        def c_body(c, inner):
            cbase = jnp.full((16,), c * N, jnp.int32)
            acc = jnp.full((16,), NEG, jnp.float32)
            s1 = jnp.zeros((16,), jnp.float32)
            s2 = jnp.zeros((16,), jnp.float32)
            for k in range(K):
                v = plsc.load_gather(yv, [cbase + ridx[k]])
                acc = jnp.maximum(acc, v)
                s1 = s1 + v
                s2 = s2 + v * v
            mv[pl.ds(pl.multiple_of(c * HALF, 16) + nb, 16)] = acc
            soff = pl.multiple_of(c * 16, 16)
            s1v[pl.ds(soff, 16)] = s1v[pl.ds(soff, 16)] + s1
            s2v[pl.ds(soff, 16)] = s2v[pl.ds(soff, 16)] + s2
            return inner

        return lax.fori_loop(0, C, c_body, carry)

    lax.fori_loop(0, HALF // 16, n0_body, 0)
    pltpu.sync_copy(mv, m_hbm.at[b, half])
    pltpu.sync_copy(s1v, sp_hbm.at[wid, 0])
    pltpu.sync_copy(s2v, sp_hbm.at[wid, 1])


NTOT = float(B * N * K)


def _norm_body(m_ref, s1_ref, s2_ref, g_ref, b_ref, o_ref):
    s1 = jnp.sum(s1_ref[...], axis=1, keepdims=True)
    s2 = jnp.sum(s2_ref[...], axis=1, keepdims=True)
    mean = s1 / NTOT
    var = s2 / NTOT - mean * mean
    sc = g_ref[...] / jnp.sqrt(var + EPS)
    sh = b_ref[...] - mean * sc
    o_ref[0] = jnp.maximum(m_ref[0] * sc + sh, 0.0)


def _norm(m, s1p, s2p, g, b):
    return pl.pallas_call(
        _norm_body,
        grid=(B,),
        in_specs=[
            pl.BlockSpec((1, C, N), lambda i: (i, 0, 0)),
            pl.BlockSpec((C, 512), lambda i: (0, 0)),
            pl.BlockSpec((C, 512), lambda i: (0, 0)),
            pl.BlockSpec((C, 1), lambda i: (0, 0)),
            pl.BlockSpec((C, 1), lambda i: (0, 0)),
        ],
        out_specs=pl.BlockSpec((1, C, N), lambda i: (i, 0, 0)),
        out_shape=jax.ShapeDtypeStruct((B, C, N), jnp.float32),
    )(m, s1p, s2p, g, b)


def _layer5_body(h_ref, w_ref, cm_ref, s1_ref, s2_ref):
    z = jnp.dot(w_ref[...], h_ref[0], preferred_element_type=jnp.float32)
    cm_ref[0] = jnp.max(z, axis=1, keepdims=True)
    s1_ref[0] = jnp.sum(z, axis=1, keepdims=True)
    s2_ref[0] = jnp.sum(z * z, axis=1, keepdims=True)


def _layer5(h, W5):
    shp = jax.ShapeDtypeStruct((B, 1024, 1), jnp.float32)
    return pl.pallas_call(
        _layer5_body,
        grid=(B,),
        in_specs=[
            pl.BlockSpec((1, C, N), lambda b: (b, 0, 0)),
            pl.BlockSpec((1024, C), lambda b: (0, 0)),
        ],
        out_specs=[pl.BlockSpec((1, 1024, 1), lambda b: (b, 0, 0))] * 3,
        out_shape=[shp, shp, shp],
    )(h, W5)


def _head_body(cm_ref, s1_ref, s2_ref, g5_ref, b5_ref, w6_ref, g6_ref, b6_ref,
               w7_ref, g7_ref, b7_ref, w8_ref, bias8_ref, o_ref):
    n5 = float(B * N)
    s1 = jnp.sum(s1_ref[...], axis=0, keepdims=True)
    s2 = jnp.sum(s2_ref[...], axis=0, keepdims=True)
    mean = s1 / n5
    var = s2 / n5 - mean * mean
    sc5 = g5_ref[...] / jnp.sqrt(var + EPS)
    sh5 = b5_ref[...] - mean * sc5
    h5 = jnp.maximum(cm_ref[...] * sc5 + sh5, 0.0)

    a = jnp.dot(h5, w6_ref[...], preferred_element_type=jnp.float32)
    m6 = jnp.mean(a, axis=0, keepdims=True)
    v6 = jnp.mean((a - m6) * (a - m6), axis=0, keepdims=True)
    h6 = jnp.maximum((a - m6) / jnp.sqrt(v6 + EPS) * g6_ref[...] + b6_ref[...], 0.0)

    a = jnp.dot(h6, w7_ref[...], preferred_element_type=jnp.float32)
    m7 = jnp.mean(a, axis=0, keepdims=True)
    v7 = jnp.mean((a - m7) * (a - m7), axis=0, keepdims=True)
    h7 = jnp.maximum((a - m7) / jnp.sqrt(v7 + EPS) * g7_ref[...] + b7_ref[...], 0.0)

    o_ref[...] = jnp.maximum(
        jnp.dot(h7, w8_ref[...], preferred_element_type=jnp.float32)
        + bias8_ref[...], 0.0)


def _head(cm, s1, s2, g5, b5, W6T, g6, b6, W7T, g7, b7, W8T, bias8):
    return pl.pallas_call(
        _head_body,
        out_shape=jax.ShapeDtypeStruct((B, 40), jnp.float32),
    )(cm, s1, s2, g5, b5, W6T, g6, b6, W7T, g7, b7, W8T, bias8)


def _edge_layer_exact(h, W, g, b):
    idx = _knn_idx(h)
    x_t = jnp.transpose(h, (0, 2, 1))
    feat = jax.vmap(lambda xt, id_: xt[id_])(x_t, idx)
    feat = jnp.transpose(feat, (0, 3, 2, 1))
    z = jnp.einsum('oc,bckn->bokn', W, feat)
    mean = jnp.mean(z, axis=(0, 2, 3), keepdims=True)
    var = jnp.var(z, axis=(0, 2, 3), keepdims=True)
    zn = (z - mean) / jnp.sqrt(var + EPS) * g[None, :, None, None] + b[None, :, None, None]
    return jnp.max(jax.nn.relu(zn), axis=2)


def _edge_layer(h, W, g, b):
    idx = _knn_idx(h)
    idx4 = jnp.transpose(idx.reshape(B, 2, HALF, K), (0, 1, 3, 2)).reshape(B, 2, K * HALF)
    y = _conv(h, W)
    m4, sp = _sc_gathermax(y.reshape(B, C * N), idx4)
    m = jnp.transpose(m4.reshape(B, 2, C, HALF), (0, 2, 1, 3)).reshape(B, C, N)
    s1p = jnp.transpose(sp[:, 0].reshape(32, C, 16), (1, 0, 2)).reshape(C, 512)
    s2p = jnp.transpose(sp[:, 1].reshape(32, C, 16), (1, 0, 2)).reshape(C, 512)
    return _norm(m, s1p, s2p, g.reshape(C, 1), b.reshape(C, 1))


def kernel(x, W1, g1, b1, W2, g2, b2, W3, g3, b3, W4, g4, b4, W5, g5, b5,
           W6, bias6, g6, b6, W7, bias7, g7, b7, W8, bias8):
    h = _edge_layer_exact(x, W1, g1, b1)
    h = _edge_layer_exact(h, W2, g2, b2)
    h = _edge_layer_exact(h, W3, g3, b3)
    h = _edge_layer(h, W4, g4, b4)
    cm, s1, s2 = _layer5(h, W5)
    out = _head(
        cm.reshape(B, 1024), s1.reshape(B, 1024), s2.reshape(B, 1024),
        g5.reshape(1, 1024), b5.reshape(1, 1024),
        W6.T, g6.reshape(1, 512), (b6 + 0.0 * bias6).reshape(1, 512),
        W7.T, g7.reshape(1, 128), (b7 + 0.0 * bias7).reshape(1, 128),
        W8.T, bias8.reshape(1, 40))
    return out

# --- scband reference (transcript-rebuilt; emitter-appended) ---
"""Pipeline reference for scband-dgcnn-cls-81733227642905 (READ-ONLY COPY).

The authoritative reference and input builder live on the scoring server;
editing this copy changes nothing except your own understanding.
"""

import jax, jax.numpy as jnp
import numpy as np

K = 20

def knn_feature(x, k):
    inner = -2.0 * jnp.einsum('bcn,bcm->bnm', x, x)
    xx = jnp.sum(x * x, axis=1)
    dist = -xx[:, :, None] - inner - xx[:, None, :]
    idx = jax.lax.top_k(dist, k)[1]
    x_t = jnp.transpose(x, (0, 2, 1))
    feat = jax.vmap(lambda xt, id_: xt[id_])(x_t, idx)
    return jnp.transpose(feat, (0, 3, 2, 1))

def bn2d(x, gamma, beta):
    mean = jnp.mean(x, axis=(0, 2, 3), keepdims=True)
    var = jnp.var(x, axis=(0, 2, 3), keepdims=True)
    return (x - mean) / jnp.sqrt(var + 1e-5) * gamma[None, :, None, None] + beta[None, :, None, None]

def bn1d_c(x, gamma, beta):
    mean = jnp.mean(x, axis=(0, 2), keepdims=True)
    var = jnp.var(x, axis=(0, 2), keepdims=True)
    return (x - mean) / jnp.sqrt(var + 1e-5) * gamma[None, :, None] + beta[None, :, None]

def bn1d_f(x, gamma, beta):
    mean = jnp.mean(x, axis=0, keepdims=True)
    var = jnp.var(x, axis=0, keepdims=True)
    return (x - mean) / jnp.sqrt(var + 1e-5) * gamma[None, :] + beta[None, :]

def setup_inputs(seed: int = 0):
    key = jax.random.key(seed)
    ks = jax.random.split(key, 12)
    def w(k_, shape):
        return jax.random.normal(k_, shape, dtype=jnp.float32) * 0.1
    inp = {
        'x': jax.random.normal(ks[0], (16, 3, 1024), dtype=jnp.float32),
        'W1': w(ks[1], (64, 3)), 'g1': jnp.ones((64,), jnp.float32), 'b1': jnp.zeros((64,), jnp.float32),
        'W2': w(ks[2], (64, 64)), 'g2': jnp.ones((64,), jnp.float32), 'b2': jnp.zeros((64,), jnp.float32),
        'W3': w(ks[3], (64, 64)), 'g3': jnp.ones((64,), jnp.float32), 'b3': jnp.zeros((64,), jnp.float32),
        'W4': w(ks[4], (64, 64)), 'g4': jnp.ones((64,), jnp.float32), 'b4': jnp.zeros((64,), jnp.float32),
        'W5': w(ks[5], (1024, 64)), 'g5': jnp.ones((1024,), jnp.float32), 'b5': jnp.zeros((1024,), jnp.float32),
        'W6': w(ks[6], (512, 1024)), 'bias6': jnp.zeros((512,), jnp.float32), 'g6': jnp.ones((512,), jnp.float32), 'b6': jnp.zeros((512,), jnp.float32),
        'W7': w(ks[7], (128, 512)), 'bias7': jnp.zeros((128,), jnp.float32), 'g7': jnp.ones((128,), jnp.float32), 'b7': jnp.zeros((128,), jnp.float32),
        'W8': w(ks[8], (40, 128)), 'bias8': jnp.zeros((40,), jnp.float32),
    }
    return inp

def reference(x, W1, g1, b1, W2, g2, b2, W3, g3, b3, W4, g4, b4, W5, g5, b5, W6, bias6, g6, b6, W7, bias7, g7, b7, W8, bias8):
    h = knn_feature(x, K)
    h = jax.nn.relu(bn2d(jnp.einsum('oc,bckn->bokn', W1, h), g1, b1))
    h = jnp.max(h, axis=2)
    h = knn_feature(h, K)
    h = jax.nn.relu(bn2d(jnp.einsum('oc,bckn->bokn', W2, h), g2, b2))
    x1 = jnp.max(h, axis=2)
    h = knn_feature(x1, K)
    h = jax.nn.relu(bn2d(jnp.einsum('oc,bckn->bokn', W3, h), g3, b3))
    h = jnp.max(h, axis=2)
    h = knn_feature(h, K)
    h = jax.nn.relu(bn2d(jnp.einsum('oc,bckn->bokn', W4, h), g4, b4))
    h = jnp.max(h, axis=2)
    h = jax.nn.relu(bn1d_c(jnp.einsum('oc,bcn->bon', W5, h), g5, b5))
    h = jnp.max(h, axis=2)
    h = jax.nn.relu(bn1d_f(h @ W6.T + bias6, g6, b6))
    h = jax.nn.relu(bn1d_f(h @ W7.T + bias7, g7, b7))
    h = jax.nn.relu(h @ W8.T + bias8)
    return h

if __name__ == "__main__":
    import jax
    _d = setup_inputs()
    print(jax.jit(kernel)(*tuple(_d.values())))

</pallas_src>

<mosaic_0001>
#map = affine_map<(d0, d1) -> (0, 0)>
#map1 = affine_map<(d0, d1) -> (0, 0, 0)>
module attributes {stable_mosaic.version = 14 : i64} {
  func.func @_sc_gathermax(%arg0: i32, %arg1: i32, %arg2: memref<16x65536xf32, #tpu.memory_space<hbm>>, %arg3: memref<16x2x10240xi32, #tpu.memory_space<hbm>>, %arg4: memref<16x2x32768xf32, #tpu.memory_space<hbm>>, %arg5: memref<32x2x1024xf32, #tpu.memory_space<hbm>>, %arg6: memref<65536xf32, #tpu.memory_space<vmem>>, %arg7: memref<10240xi32, #tpu.memory_space<vmem>>, %arg8: memref<32768xf32, #tpu.memory_space<vmem>>, %arg9: memref<1024xf32, #tpu.memory_space<vmem>>, %arg10: memref<1024xf32, #tpu.memory_space<vmem>>) attributes {dimension_semantics = [#tpu.dimension_semantics<core_parallel>, #tpu.dimension_semantics<subcore_parallel>], iteration_bounds = array<i64: 2, 16>, scalar_prefetch = 0 : i64, scratch_operands = 5 : i64, tpu.core_type = #tpu.core_type<sc_vector_subcore>, window_params = [{transform_indices = #map}, {transform_indices = #map1}, {transform_indices = #map1}, {transform_indices = #map1}]} {
    %mul3A = arith.constant 2 : i32
    %mul3A_0 = arith.muli %arg1, %mul3A : i32
    %add3A = arith.addi %mul3A_0, %arg0 : i32
    "tpu.region"() ({
      %run_scoped3A_13 = tpu.sem_alloc : memref<!tpu.dma_semaphore, #tpu.memory_space<semaphore_mem>>
      %dma_start3A = arith.constant 0 : i32
      %dma_start3A_14 = tpu.memref_slice %arg2[%arg1, %dma_start3A] : memref<16x65536xf32, #tpu.memory_space<hbm>> -> memref<1x65536xf32, #tpu.memory_space<hbm>>
      %dma_start3A_15 = tpu.memref_squeeze %dma_start3A_14 : memref<1x65536xf32, #tpu.memory_space<hbm>> -> memref<65536xf32, #tpu.memory_space<hbm>>
      %dma_start3A_16 = arith.constant 0 : i32
      %dma_start3A_17 = tpu.memref_slice %arg2[%arg1, %dma_start3A_16] : memref<16x65536xf32, #tpu.memory_space<hbm>> -> memref<1x65536xf32, #tpu.memory_space<hbm>>
      %dma_start3A_18 = tpu.memref_squeeze %dma_start3A_17 : memref<1x65536xf32, #tpu.memory_space<hbm>> -> memref<65536xf32, #tpu.memory_space<hbm>>
      tpu.enqueue_dma source(%dma_start3A_18 : memref<65536xf32, #tpu.memory_space<hbm>>) target(%arg6 : memref<65536xf32, #tpu.memory_space<vmem>>) target_semaphore(%run_scoped3A_13 : memref<!tpu.dma_semaphore, #tpu.memory_space<semaphore_mem>>)
      %dma_wait3A = arith.constant 0 : i32
      %dma_wait3A_19 = tpu.memref_slice %arg2[%arg1, %dma_wait3A] : memref<16x65536xf32, #tpu.memory_space<hbm>> -> memref<1x65536xf32, #tpu.memory_space<hbm>>
      %dma_wait3A_20 = tpu.memref_squeeze %dma_wait3A_19 : memref<1x65536xf32, #tpu.memory_space<hbm>> -> memref<65536xf32, #tpu.memory_space<hbm>>
      %dma_wait3A_21 = arith.constant 0 : i32
      %dma_wait3A_22 = tpu.memref_slice %arg2[%arg1, %dma_wait3A_21] : memref<16x65536xf32, #tpu.memory_space<hbm>> -> memref<1x65536xf32, #tpu.memory_space<hbm>>
      %dma_wait3A_23 = tpu.memref_squeeze %dma_wait3A_22 : memref<1x65536xf32, #tpu.memory_space<hbm>> -> memref<65536xf32, #tpu.memory_space<hbm>>
      tpu.wait_dma2 semaphore(%run_scoped3A_13 : memref<!tpu.dma_semaphore, #tpu.memory_space<semaphore_mem>>) src(%dma_wait3A_23 : memref<65536xf32, #tpu.memory_space<hbm>>) dst(%arg6 : memref<65536xf32, #tpu.memory_space<vmem>>)
      tpu.yield
    }) : () -> ()
    "tpu.region"() ({
      %run_scoped3A_13 = tpu.sem_alloc : memref<!tpu.dma_semaphore, #tpu.memory_space<semaphore_mem>>
      %dma_start3A = arith.constant 0 : i32
      %dma_start3A_14 = tpu.memref_slice %arg3[%arg1, %arg0, %dma_start3A] : memref<16x2x10240xi32, #tpu.memory_space<hbm>> -> memref<1x1x10240xi32, #tpu.memory_space<hbm>>
      %dma_start3A_15 = tpu.memref_squeeze %dma_start3A_14 : memref<1x1x10240xi32, #tpu.memory_space<hbm>> -> memref<10240xi32, #tpu.memory_space<hbm>>
      %dma_start3A_16 = arith.constant 0 : i32
      %dma_start3A_17 = tpu.memref_slice %arg3[%arg1, %arg0, %dma_start3A_16] : memref<16x2x10240xi32, #tpu.memory_space<hbm>> -> memref<1x1x10240xi32, #tpu.memory_space<hbm>>
      %dma_start3A_18 = tpu.memref_squeeze %dma_start3A_17 : memref<1x1x10240xi32, #tpu.memory_space<hbm>> -> memref<10240xi32, #tpu.memory_space<hbm>>
      tpu.enqueue_dma source(%dma_start3A_18 : memref<10240xi32, #tpu.memory_space<hbm>>) target(%arg7 : memref<10240xi32, #tpu.memory_space<vmem>>) target_semaphore(%run_scoped3A_13 : memref<!tpu.dma_semaphore, #tpu.memory_space<semaphore_mem>>)
      %dma_wait3A = arith.constant 0 : i32
      %dma_wait3A_19 = tpu.memref_slice %arg3[%arg1, %arg0, %dma_wait3A] : memref<16x2x10240xi32, #tpu.memory_space<hbm>> -> memref<1x1x10240xi32, #tpu.memory_space<hbm>>
      %dma_wait3A_20 = tpu.memref_squeeze %dma_wait3A_19 : memref<1x1x10240xi32, #tpu.memory_space<hbm>> -> memref<10240xi32, #tpu.memory_space<hbm>>
      %dma_wait3A_21 = arith.constant 0 : i32
      %dma_wait3A_22 = tpu.memref_slice %arg3[%arg1, %arg0, %dma_wait3A_21] : memref<16x2x10240xi32, #tpu.memory_space<hbm>> -> memref<1x1x10240xi32, #tpu.memory_space<hbm>>
      %dma_wait3A_23 = tpu.memref_squeeze %dma_wait3A_22 : memref<1x1x10240xi32, #tpu.memory_space<hbm>> -> memref<10240xi32, #tpu.memory_space<hbm>>
      tpu.wait_dma2 semaphore(%run_scoped3A_13 : memref<!tpu.dma_semaphore, #tpu.memory_space<semaphore_mem>>) src(%dma_wait3A_23 : memref<10240xi32, #tpu.memory_space<hbm>>) dst(%arg7 : memref<10240xi32, #tpu.memory_space<vmem>>)
      tpu.yield
    }) : () -> ()
    %scan3A = arith.constant 0 : i32
    %scan3A_1 = arith.constant 0 : i32
    %scan3A_2 = arith.constant 64 : i32
    %scan3A_3 = arith.addi %scan3A_1, %scan3A_2 : i32
    %scan3A_4 = arith.constant 1 : i32
    scf.for %scan3A_13 = %scan3A_1 to %scan3A_3 step %scan3A_4  : i32 {
      %mul3A_14 = arith.constant 16 : i32
      %mul3A_15 = arith.muli %scan3A_13, %mul3A_14 : i32
      %multiple_of3A = tpu.assume_multiple %mul3A_15, 16 : i32
      %broadcast_in_dim3A = arith.constant 0.000000e+00 : f32
      %broadcast_in_dim3A_16 = vector.broadcast %broadcast_in_dim3A : f32 to vector<16xf32>
      %swap3A = arith.index_cast %multiple_of3A : i32 to index
      %swap3A_17 = tpu.vector_load %arg9[%swap3A] {strides = array<i32>} : memref<1024xf32, #tpu.memory_space<vmem>>, vector<16xf32>,
      tpu.vector_store %arg9[%swap3A], %broadcast_in_dim3A_16 {strides = array<i32>} : memref<1024xf32, #tpu.memory_space<vmem>>, vector<16xf32>,
      %broadcast_in_dim3A_18 = arith.constant 0.000000e+00 : f32
      %broadcast_in_dim3A_19 = vector.broadcast %broadcast_in_dim3A_18 : f32 to vector<16xf32>
      %swap3A_20 = arith.index_cast %multiple_of3A : i32 to index
      %swap3A_21 = tpu.vector_load %arg10[%swap3A_20] {strides = array<i32>} : memref<1024xf32, #tpu.memory_space<vmem>>, vector<16xf32>,
      tpu.vector_store %arg10[%swap3A_20], %broadcast_in_dim3A_19 {strides = array<i32>} : memref<1024xf32, #tpu.memory_space<vmem>>, vector<16xf32>,
    }
    %scan3A_5 = arith.constant 64 : i32
    %scan3A_6 = arith.constant 0 : i32
    %scan3A_7 = arith.constant 0 : i32
    %scan3A_8 = arith.constant 32 : i32
    %scan3A_9 = arith.addi %scan3A_7, %scan3A_8 : i32
    %scan3A_10 = arith.constant 1 : i32
    scf.for %scan3A_13 = %scan3A_7 to %scan3A_9 step %scan3A_10  : i32 {
      %mul3A_14 = arith.constant 16 : i32
      %mul3A_15 = arith.muli %scan3A_13, %mul3A_14 : i32
      %multiple_of3A = tpu.assume_multiple %mul3A_15, 16 : i32
      %add3A_16 = arith.constant 0 : i32
      %add3A_17 = arith.addi %add3A_16, %multiple_of3A : i32
      %get3A = arith.index_cast %add3A_17 : i32 to index
      %get3A_18 = tpu.vector_load %arg7[%get3A] {strides = array<i32>} : memref<10240xi32, #tpu.memory_space<vmem>>, vector<16xi32>,
      %add3A_19 = arith.constant 512 : i32
      %add3A_20 = arith.addi %add3A_19, %multiple_of3A : i32
      %get3A_21 = arith.index_cast %add3A_20 : i32 to index
      %get3A_22 = tpu.vector_load %arg7[%get3A_21] {strides = array<i32>} : memref<10240xi32, #tpu.memory_space<vmem>>, vector<16xi32>,
      %add3A_23 = arith.constant 1024 : i32
      %add3A_24 = arith.addi %add3A_23, %multiple_of3A : i32
      %get3A_25 = arith.index_cast %add3A_24 : i32 to index
      %get3A_26 = tpu.vector_load %arg7[%get3A_25] {strides = array<i32>} : memref<10240xi32, #tpu.memory_space<vmem>>, vector<16xi32>,
      %add3A_27 = arith.constant 1536 : i32
      %add3A_28 = arith.addi %add3A_27, %multiple_of3A : i32
      %get3A_29 = arith.index_cast %add3A_28 : i32 to index
      %get3A_30 = tpu.vector_load %arg7[%get3A_29] {strides = array<i32>} : memref<10240xi32, #tpu.memory_space<vmem>>, vector<16xi32>,
      %add3A_31 = arith.constant 2048 : i32
      %add3A_32 = arith.addi %add3A_31, %multiple_of3A : i32
      %get3A_33 = arith.index_cast %add3A_32 : i32 to index
      %get3A_34 = tpu.vector_load %arg7[%get3A_33] {strides = array<i32>} : memref<10240xi32, #tpu.memory_space<vmem>>, vector<16xi32>,
      %add3A_35 = arith.constant 2560 : i32
      %add3A_36 = arith.addi %add3A_35, %multiple_of3A : i32
      %get3A_37 = arith.index_cast %add3A_36 : i32 to index
      %get3A_38 = tpu.vector_load %arg7[%get3A_37] {strides = array<i32>} : memref<10240xi32, #tpu.memory_space<vmem>>, vector<16xi32>,
      %add3A_39 = arith.constant 3072 : i32
      %add3A_40 = arith.addi %add3A_39, %multiple_of3A : i32
      %get3A_41 = arith.index_cast %add3A_40 : i32 to index
      %get3A_42 = tpu.vector_load %arg7[%get3A_41] {strides = array<i32>} : memref<10240xi32, #tpu.memory_space<vmem>>, vector<16xi32>,
      %add3A_43 = arith.constant 3584 : i32
      %add3A_44 = arith.addi %add3A_43, %multiple_of3A : i32
      %get3A_45 = arith.index_cast %add3A_44 : i32 to index
      %get3A_46 = tpu.vector_load %arg7[%get3A_45] {strides = array<i32>} : memref<10240xi32, #tpu.memory_space<vmem>>, vector<16xi32>,
      %add3A_47 = arith.constant 4096 : i32
      %add3A_48 = arith.addi %add3A_47, %multiple_of3A : i32
      %get3A_49 = arith.index_cast %add3A_48 : i32 to index
      %get3A_50 = tpu.vector_load %arg7[%get3A_49] {strides = array<i32>} : memref<10240xi32, #tpu.memory_space<vmem>>, vector<16xi32>,
      %add3A_51 = arith.constant 4608 : i32
      %add3A_52 = arith.addi %add3A_51, %multiple_of3A : i32
      %get3A_53 = arith.index_cast %add3A_52 : i32 to index
      %get3A_54 = tpu.vector_load %arg7[%get3A_53] {strides = array<i32>} : memref<10240xi32, #tpu.memory_space<vmem>>, vector<16xi32>,
      %add3A_55 = arith.constant 5120 : i32
      %add3A_56 = arith.addi %add3A_55, %multiple_of3A : i32
      %get3A_57 = arith.index_cast %add3A_56 : i32 to index
      %get3A_58 = tpu.vector_load %arg7[%get3A_57] {strides = array<i32>} : memref<10240xi32, #tpu.memory_space<vmem>>, vector<16xi32>,
      %add3A_59 = arith.constant 5632 : i32
      %add3A_60 = arith.addi %add3A_59, %multiple_of3A : i32
      %get3A_61 = arith.index_cast %add3A_60 : i32 to index
      %get3A_62 = tpu.vector_load %arg7[%get3A_61] {strides = array<i32>} : memref<10240xi32, #tpu.memory_space<vmem>>, vector<16xi32>,
      %add3A_63 = arith.constant 6144 : i32
      %add3A_64 = arith.addi %add3A_63, %multiple_of3A : i32
      %get3A_65 = arith.index_cast %add3A_64 : i32 to index
      %get3A_66 = tpu.vector_load %arg7[%get3A_65] {strides = array<i32>} : memref<10240xi32, #tpu.memory_space<vmem>>, vector<16xi32>,
      %add3A_67 = arith.constant 6656 : i32
      %add3A_68 = arith.addi %add3A_67, %multiple_of3A : i32
      %get3A_69 = arith.index_cast %add3A_68 : i32 to index
      %get3A_70 = tpu.vector_load %arg7[%get3A_69] {strides = array<i32>} : memref<10240xi32, #tpu.memory_space<vmem>>, vector<16xi32>,
      %add3A_71 = arith.constant 7168 : i32
      %add3A_72 = arith.addi %add3A_71, %multiple_of3A : i32
      %get3A_73 = arith.index_cast %add3A_72 : i32 to index
      %get3A_74 = tpu.vector_load %arg7[%get3A_73] {strides = array<i32>} : memref<10240xi32, #tpu.memory_space<vmem>>, vector<16xi32>,
      %add3A_75 = arith.constant 7680 : i32
      %add3A_76 = arith.addi %add3A_75, %multiple_of3A : i32
      %get3A_77 = arith.index_cast %add3A_76 : i32 to index
      %get3A_78 = tpu.vector_load %arg7[%get3A_77] {strides = array<i32>} : memref<10240xi32, #tpu.memory_space<vmem>>, vector<16xi32>,
      %add3A_79 = arith.constant 8192 : i32
      %add3A_80 = arith.addi %add3A_79, %multiple_of3A : i32
      %get3A_81 = arith.index_cast %add3A_80 : i32 to index
      %get3A_82 = tpu.vector_load %arg7[%get3A_81] {strides = array<i32>} : memref<10240xi32, #tpu.memory_space<vmem>>, vector<16xi32>,
      %add3A_83 = arith.constant 8704 : i32
      %add3A_84 = arith.addi %add3A_83, %multiple_of3A : i32
      %get3A_85 = arith.index_cast %add3A_84 : i32 to index
      %get3A_86 = tpu.vector_load %arg7[%get3A_85] {strides = array<i32>} : memref<10240xi32, #tpu.memory_space<vmem>>, vector<16xi32>,
      %add3A_87 = arith.constant 9216 : i32
      %add3A_88 = arith.addi %add3A_87, %multiple_of3A : i32
      %get3A_89 = arith.index_cast %add3A_88 : i32 to index
      %get3A_90 = tpu.vector_load %arg7[%get3A_89] {strides = array<i32>} : memref<10240xi32, #tpu.memory_space<vmem>>, vector<16xi32>,
      %add3A_91 = arith.constant 9728 : i32
      %add3A_92 = arith.addi %add3A_91, %multiple_of3A : i32
      %get3A_93 = arith.index_cast %add3A_92 : i32 to index
      %get3A_94 = tpu.vector_load %arg7[%get3A_93] {strides = array<i32>} : memref<10240xi32, #tpu.memory_space<vmem>>, vector<16xi32>,
      %scan3A_95 = arith.constant 0 : i32
      %scan3A_96 = arith.constant 64 : i32
      %scan3A_97 = arith.addi %scan3A_95, %scan3A_96 : i32
      %scan3A_98 = arith.constant 1 : i32
      scf.for %scan3A_100 = %scan3A_95 to %scan3A_97 step %scan3A_98  : i32 {
        %mul3A_101 = arith.constant 1024 : i32
        %mul3A_102 = arith.muli %scan3A_100, %mul3A_101 : i32
        %broadcast_in_dim3A = vector.broadcast %mul3A_102 : i32 to vector<16xi32>
        %broadcast_in_dim3A_103 = arith.constant -3.000000e+38 : f32
        %broadcast_in_dim3A_104 = vector.broadcast %broadcast_in_dim3A_103 : f32 to vector<16xf32>
        %broadcast_in_dim3A_105 = arith.constant 0.000000e+00 : f32
        %broadcast_in_dim3A_106 = vector.broadcast %broadcast_in_dim3A_105 : f32 to vector<16xf32>
        %broadcast_in_dim3A_107 = arith.constant 0.000000e+00 : f32
        %broadcast_in_dim3A_108 = vector.broadcast %broadcast_in_dim3A_107 : f32 to vector<16xf32>
        %add3A_109 = arith.addi %broadcast_in_dim3A, %get3A_18 : vector<16xi32>
        %gather3A = tpu.vector_load_idx %arg6[%add3A_109] : memref<65536xf32, #tpu.memory_space<vmem>>[vector<16xi32>], vector<16xf32>,
        %max3A = arith.maximumf %broadcast_in_dim3A_104, %gather3A : vector<16xf32>
        %add3A_110 = arith.addf %broadcast_in_dim3A_106, %gather3A : vector<16xf32>
        %mul3A_111 = arith.mulf %gather3A, %gather3A : vector<16xf32>
        %add3A_112 = arith.addf %broadcast_in_dim3A_108, %mul3A_111 : vector<16xf32>
        %add3A_113 = arith.addi %broadcast_in_dim3A, %get3A_22 : vector<16xi32>
        %gather3A_114 = tpu.vector_load_idx %arg6[%add3A_113] : memref<65536xf32, #tpu.memory_space<vmem>>[vector<16xi32>], vector<16xf32>,
        %max3A_115 = arith.maximumf %max3A, %gather3A_114 : vector<16xf32>
        %add3A_116 = arith.addf %add3A_110, %gather3A_114 : vector<16xf32>
        %mul3A_117 = arith.mulf %gather3A_114, %gather3A_114 : vector<16xf32>
        %add3A_118 = arith.addf %add3A_112, %mul3A_117 : vector<16xf32>
        %add3A_119 = arith.addi %broadcast_in_dim3A, %get3A_26 : vector<16xi32>
        %gather3A_120 = tpu.vector_load_idx %arg6[%add3A_119] : memref<65536xf32, #tpu.memory_space<vmem>>[vector<16xi32>], vector<16xf32>,
        %max3A_121 = arith.maximumf %max3A_115, %gather3A_120 : vector<16xf32>
        %add3A_122 = arith.addf %add3A_116, %gather3A_120 : vector<16xf32>
        %mul3A_123 = arith.mulf %gather3A_120, %gather3A_120 : vector<16xf32>
        %add3A_124 = arith.addf %add3A_118, %mul3A_123 : vector<16xf32>
        %add3A_125 = arith.addi %broadcast_in_dim3A, %get3A_30 : vector<16xi32>
        %gather3A_126 = tpu.vector_load_idx %arg6[%add3A_125] : memref<65536xf32, #tpu.memory_space<vmem>>[vector<16xi32>], vector<16xf32>,
        %max3A_127 = arith.maximumf %max3A_121, %gather3A_126 : vector<16xf32>
        %add3A_128 = arith.addf %add3A_122, %gather3A_126 : vector<16xf32>
        %mul3A_129 = arith.mulf %gather3A_126, %gather3A_126 : vector<16xf32>
        %add3A_130 = arith.addf %add3A_124, %mul3A_129 : vector<16xf32>
        %add3A_131 = arith.addi %broadcast_in_dim3A, %get3A_34 : vector<16xi32>
        %gather3A_132 = tpu.vector_load_idx %arg6[%add3A_131] : memref<65536xf32, #tpu.memory_space<vmem>>[vector<16xi32>], vector<16xf32>,
        %max3A_133 = arith.maximumf %max3A_127, %gather3A_132 : vector<16xf32>
        %add3A_134 = arith.addf %add3A_128, %gather3A_132 : vector<16xf32>
        %mul3A_135 = arith.mulf %gather3A_132, %gather3A_132 : vector<16xf32>
        %add3A_136 = arith.addf %add3A_130, %mul3A_135 : vector<16xf32>
        %add3A_137 = arith.addi %broadcast_in_dim3A, %get3A_38 : vector<16xi32>
        %gather3A_138 = tpu.vector_load_idx %arg6[%add3A_137] : memref<65536xf32, #tpu.memory_space<vmem>>[vector<16xi32>], vector<16xf32>,
        %max3A_139 = arith.maximumf %max3A_133, %gather3A_138 : vector<16xf32>
        %add3A_140 = arith.addf %add3A_134, %gather3A_138 : vector<16xf32>
        %mul3A_141 = arith.mulf %gather3A_138, %gather3A_138 : vector<16xf32>
        %add3A_142 = arith.addf %add3A_136, %mul3A_141 : vector<16xf32>
        %add3A_143 = arith.addi %broadcast_in_dim3A, %get3A_42 : vector<16xi32>
        %gather3A_144 = tpu.vector_load_idx %arg6[%add3A_143] : memref<65536xf32, #tpu.memory_space<vmem>>[vector<16xi32>], vector<16xf32>,
        %max3A_145 = arith.maximumf %max3A_139, %gather3A_144 : vector<16xf32>
        %add3A_146 = arith.addf %add3A_140, %gather3A_144 : vector<16xf32>
        %mul3A_147 = arith.mulf %gather3A_144, %gather3A_144 : vector<16xf32>
        %add3A_148 = arith.addf %add3A_142, %mul3A_147 : vector<16xf32>
        %add3A_149 = arith.addi %broadcast_in_dim3A, %get3A_46 : vector<16xi32>
        %gather3A_150 = tpu.vector_load_idx %arg6[%add3A_149] : memref<65536xf32, #tpu.memory_space<vmem>>[vector<16xi32>], vector<16xf32>,
        %max3A_151 = arith.maximumf %max3A_145, %gather3A_150 : vector<16xf32>
        %add3A_152 = arith.addf %add3A_146, %gather3A_150 : vector<16xf32>
        %mul3A_153 = arith.mulf %gather3A_150, %gather3A_150 : vector<16xf32>
        %add3A_154 = arith.addf %add3A_148, %mul3A_153 : vector<16xf32>
        %add3A_155 = arith.addi %broadcast_in_dim3A, %get3A_50 : vector<16xi32>
        %gather3A_156 = tpu.vector_load_idx %arg6[%add3A_155] : memref<65536xf32, #tpu.memory_space<vmem>>[vector<16xi32>], vector<16xf32>,
        %max3A_157 = arith.maximumf %max3A_151, %gather3A_156 : vector<16xf32>
        %add3A_158 = arith.addf %add3A_152, %gather3A_156 : vector<16xf32>
        %mul3A_159 = arith.mulf %gather3A_156, %gather3A_156 : vector<16xf32>
        %add3A_160 = arith.addf %add3A_154, %mul3A_159 : vector<16xf32>
        %add3A_161 = arith.addi %broadcast_in_dim3A, %get3A_54 : vector<16xi32>
        %gather3A_162 = tpu.vector_load_idx %arg6[%add3A_161] : memref<65536xf32, #tpu.memory_space<vmem>>[vector<16xi32>], vector<16xf32>,
        %max3A_163 = arith.maximumf %max3A_157, %gather3A_162 : vector<16xf32>
        %add3A_164 = arith.addf %add3A_158, %gather3A_162 : vector<16xf32>
        %mul3A_165 = arith.mulf %gather3A_162, %gather3A_162 : vector<16xf32>
        %add3A_166 = arith.addf %add3A_160, %mul3A_165 : vector<16xf32>
        %add3A_167 = arith.addi %broadcast_in_dim3A, %get3A_58 : vector<16xi32>
        %gather3A_168 = tpu.vector_load_idx %arg6[%add3A_167] : memref<65536xf32, #tpu.memory_space<vmem>>[vector<16xi32>], vector<16xf32>,
        %max3A_169 = arith.maximumf %max3A_163, %gather3A_168 : vector<16xf32>
        %add3A_170 = arith.addf %add3A_164, %gather3A_168 : vector<16xf32>
        %mul3A_171 = arith.mulf %gather3A_168, %gather3A_168 : vector<16xf32>
        %add3A_172 = arith.addf %add3A_166, %mul3A_171 : vector<16xf32>
        %add3A_173 = arith.addi %broadcast_in_dim3A, %get3A_62 : vector<16xi32>
        %gather3A_174 = tpu.vector_load_idx %arg6[%add3A_173] : memref<65536xf32, #tpu.memory_space<vmem>>[vector<16xi32>], vector<16xf32>,
        %max3A_175 = arith.maximumf %max3A_169, %gather3A_174 : vector<16xf32>
        %add3A_176 = arith.addf %add3A_170, %gather3A_174 : vector<16xf32>
        %mul3A_177 = arith.mulf %gather3A_174, %gather3A_174 : vector<16xf32>
        %add3A_178 = arith.addf %add3A_172, %mul3A_177 : vector<16xf32>
        %add3A_179 = arith.addi %broadcast_in_dim3A, %get3A_66 : vector<16xi32>
        %gather3A_180 = tpu.vector_load_idx %arg6[%add3A_179] : memref<65536xf32, #tpu.memory_space<vmem>>[vector<16xi32>], vector<16xf32>,
        %max3A_181 = arith.maximumf %max3A_175, %gather3A_180 : vector<16xf32>
        %add3A_182 = arith.addf %add3A_176, %gather3A_180 : vector<16xf32>
        %mul3A_183 = arith.mulf %gather3A_180, %gather3A_180 : vector<16xf32>
        %add3A_184 = arith.addf %add3A_178, %mul3A_183 : vector<16xf32>
        %add3A_185 = arith.addi %broadcast_in_dim3A, %get3A_70 : vector<16xi32>
        %gather3A_186 = tpu.vector_load_idx %arg6[%add3A_185] : memref<65536xf32, #tpu.memory_space<vmem>>[vector<16xi32>], vector<16xf32>,
        %max3A_187 = arith.maximumf %max3A_181, %gather3A_186 : vector<16xf32>
        %add3A_188 = arith.addf %add3A_182, %gather3A_186 : vector<16xf32>
        %mul3A_189 = arith.mulf %gather3A_186, %gather3A_186 : vector<16xf32>
        %add3A_190 = arith.addf %add3A_184, %mul3A_189 : vector<16xf32>
        %add3A_191 = arith.addi %broadcast_in_dim3A, %get3A_74 : vector<16xi32>
        %gather3A_192 = tpu.vector_load_idx %arg6[%add3A_191] : memref<65536xf32, #tpu.memory_space<vmem>>[vector<16xi32>], vector<16xf32>,
        %max3A_193 = arith.maximumf %max3A_187, %gather3A_192 : vector<16xf32>
        %add3A_194 = arith.addf %add3A_188, %gather3A_192 : vector<16xf32>
        %mul3A_195 = arith.mulf %gather3A_192, %gather3A_192 : vector<16xf32>
        %add3A_196 = arith.addf %add3A_190, %mul3A_195 : vector<16xf32>
        %add3A_197 = arith.addi %broadcast_in_dim3A, %get3A_78 : vector<16xi32>
        %gather3A_198 = tpu.vector_load_idx %arg6[%add3A_197] : memref<65536xf32, #tpu.memory_space<vmem>>[vector<16xi32>], vector<16xf32>,
        %max3A_199 = arith.maximumf %max3A_193, %gather3A_198 : vector<16xf32>
        %add3A_200 = arith.addf %add3A_194, %gather3A_198 : vector<16xf32>
        %mul3A_201 = arith.mulf %gather3A_198, %gather3A_198 : vector<16xf32>
        %add3A_202 = arith.addf %add3A_196, %mul3A_201 : vector<16xf32>
        %add3A_203 = arith.addi %broadcast_in_dim3A, %get3A_82 : vector<16xi32>
        %gather3A_204 = tpu.vector_load_idx %arg6[%add3A_203] : memref<65536xf32, #tpu.memory_space<vmem>>[vector<16xi32>], vector<16xf32>,
        %max3A_205 = arith.maximumf %max3A_199, %gather3A_204 : vector<16xf32>
        %add3A_206 = arith.addf %add3A_200, %gather3A_204 : vector<16xf32>
        %mul3A_207 = arith.mulf %gather3A_204, %gather3A_204 : vector<16xf32>
        %add3A_208 = arith.addf %add3A_202, %mul3A_207 : vector<16xf32>
        %add3A_209 = arith.addi %broadcast_in_dim3A, %get3A_86 : vector<16xi32>
        %gather3A_210 = tpu.vector_load_idx %arg6[%add3A_209] : memref<65536xf32, #tpu.memory_space<vmem>>[vector<16xi32>], vector<16xf32>,
        %max3A_211 = arith.maximumf %max3A_205, %gather3A_210 : vector<16xf32>
        %add3A_212 = arith.addf %add3A_206, %gather3A_210 : vector<16xf32>
        %mul3A_213 = arith.mulf %gather3A_210, %gather3A_210 : vector<16xf32>
        %add3A_214 = arith.addf %add3A_208, %mul3A_213 : vector<16xf32>
        %add3A_215 = arith.addi %broadcast_in_dim3A, %get3A_90 : vector<16xi32>
        %gather3A_216 = tpu.vector_load_idx %arg6[%add3A_215] : memref<65536xf32, #tpu.memory_space<vmem>>[vector<16xi32>], vector<16xf32>,
        %max3A_217 = arith.maximumf %max3A_211, %gather3A_216 : vector<16xf32>
        %add3A_218 = arith.addf %add3A_212, %gather3A_216 : vector<16xf32>
        %mul3A_219 = arith.mulf %gather3A_216, %gather3A_216 : vector<16xf32>
        %add3A_220 = arith.addf %add3A_214, %mul3A_219 : vector<16xf32>
        %add3A_221 = arith.addi %broadcast_in_dim3A, %get3A_94 : vector<16xi32>
        %gather3A_222 = tpu.vector_load_idx %arg6[%add3A_221] : memref<65536xf32, #tpu.memory_space<vmem>>[vector<16xi32>], vector<16xf32>,
        %max3A_223 = arith.maximumf %max3A_217, %gather3A_222 : vector<16xf32>
        %add3A_224 = arith.addf %add3A_218, %gather3A_222 : vector<16xf32>
        %mul3A_225 = arith.mulf %gather3A_222, %gather3A_222 : vector<16xf32>
        %add3A_226 = arith.addf %add3A_220, %mul3A_225 : vector<16xf32>
        %mul3A_227 = arith.constant 512 : i32
        %mul3A_228 = arith.muli %scan3A_100, %mul3A_227 : i32
        %multiple_of3A_229 = tpu.assume_multiple %mul3A_228, 16 : i32
        %add3A_230 = arith.addi %multiple_of3A_229, %multiple_of3A : i32
        %swap3A = arith.index_cast %add3A_230 : i32 to index
        %swap3A_231 = tpu.vector_load %arg8[%swap3A] {strides = array<i32>} : memref<32768xf32, #tpu.memory_space<vmem>>, vector<16xf32>,
        tpu.vector_store %arg8[%swap3A], %max3A_223 {strides = array<i32>} : memref<32768xf32, #tpu.memory_space<vmem>>, vector<16xf32>,
        %mul3A_232 = arith.constant 16 : i32
        %mul3A_233 = arith.muli %scan3A_100, %mul3A_232 : i32
        %multiple_of3A_234 = tpu.assume_multiple %mul3A_233, 16 : i32
        %get3A_235 = arith.index_cast %multiple_of3A_234 : i32 to index
        %get3A_236 = tpu.vector_load %arg9[%get3A_235] {strides = array<i32>} : memref<1024xf32, #tpu.memory_space<vmem>>, vector<16xf32>,
        %add3A_237 = arith.addf %get3A_236, %add3A_224 : vector<16xf32>
        %swap3A_238 = arith.index_cast %multiple_of3A_234 : i32 to index
        %swap3A_239 = tpu.vector_load %arg9[%swap3A_238] {strides = array<i32>} : memref<1024xf32, #tpu.memory_space<vmem>>, vector<16xf32>,
        tpu.vector_store %arg9[%swap3A_238], %add3A_237 {strides = array<i32>} : memref<1024xf32, #tpu.memory_space<vmem>>, vector<16xf32>,
        %get3A_240 = arith.index_cast %multiple_of3A_234 : i32 to index
        %get3A_241 = tpu.vector_load %arg10[%get3A_240] {strides = array<i32>} : memref<1024xf32, #tpu.memory_space<vmem>>, vector<16xf32>,
        %add3A_242 = arith.addf %get3A_241, %add3A_226 : vector<16xf32>
        %swap3A_243 = arith.index_cast %multiple_of3A_234 : i32 to index
        %swap3A_244 = tpu.vector_load %arg10[%swap3A_243] {strides = array<i32>} : memref<1024xf32, #tpu.memory_space<vmem>>, vector<16xf32>,
        tpu.vector_store %arg10[%swap3A_243], %add3A_242 {strides = array<i32>} : memref<1024xf32, #tpu.memory_space<vmem>>, vector<16xf32>,
      }
      %scan3A_99 = arith.constant 64 : i32
    }
    %scan3A_11 = arith.constant 32 : i32
    "tpu.region"() ({
      %run_scoped3A_13 = tpu.sem_alloc : memref<!tpu.dma_semaphore, #tpu.memory_space<semaphore_mem>>
      %dma_start3A = arith.constant 0 : i32
      %dma_start3A_14 = tpu.memref_slice %arg4[%arg1, %arg0, %dma_start3A] : memref<16x2x32768xf32, #tpu.memory_space<hbm>> -> memref<1x1x32768xf32, #tpu.memory_space<hbm>>
      %dma_start3A_15 = tpu.memref_squeeze %dma_start3A_14 : memref<1x1x32768xf32, #tpu.memory_space<hbm>> -> memref<32768xf32, #tpu.memory_space<hbm>>
      %dma_start3A_16 = arith.constant 0 : i32
      %dma_start3A_17 = tpu.memref_slice %arg4[%arg1, %arg0, %dma_start3A_16] : memref<16x2x32768xf32, #tpu.memory_space<hbm>> -> memref<1x1x32768xf32, #tpu.memory_space<hbm>>
      %dma_start3A_18 = tpu.memref_squeeze %dma_start3A_17 : memref<1x1x32768xf32, #tpu.memory_space<hbm>> -> memref<32768xf32, #tpu.memory_space<hbm>>
      tpu.enqueue_dma source(%arg8 : memref<32768xf32, #tpu.memory_space<vmem>>) target(%dma_start3A_18 : memref<32768xf32, #tpu.memory_space<hbm>>) target_semaphore(%run_scoped3A_13 : memref<!tpu.dma_semaphore, #tpu.memory_space<semaphore_mem>>)
      %dma_wait3A = arith.constant 0 : i32
      %dma_wait3A_19 = tpu.memref_slice %arg4[%arg1, %arg0, %dma_wait3A] : memref<16x2x32768xf32, #tpu.memory_space<hbm>> -> memref<1x1x32768xf32, #tpu.memory_space<hbm>>
      %dma_wait3A_20 = tpu.memref_squeeze %dma_wait3A_19 : memref<1x1x32768xf32, #tpu.memory_space<hbm>> -> memref<32768xf32, #tpu.memory_space<hbm>>
      %dma_wait3A_21 = arith.constant 0 : i32
      %dma_wait3A_22 = tpu.memref_slice %arg4[%arg1, %arg0, %dma_wait3A_21] : memref<16x2x32768xf32, #tpu.memory_space<hbm>> -> memref<1x1x32768xf32, #tpu.memory_space<hbm>>
      %dma_wait3A_23 = tpu.memref_squeeze %dma_wait3A_22 : memref<1x1x32768xf32, #tpu.memory_space<hbm>> -> memref<32768xf32, #tpu.memory_space<hbm>>
      tpu.wait_dma2 semaphore(%run_scoped3A_13 : memref<!tpu.dma_semaphore, #tpu.memory_space<semaphore_mem>>) src(%arg8 : memref<32768xf32, #tpu.memory_space<vmem>>) dst(%dma_wait3A_23 : memref<32768xf32, #tpu.memory_space<hbm>>)
      tpu.yield
    }) : () -> ()
    %run_scoped3A = arith.constant 0 : i32
    "tpu.region"() ({
      %run_scoped3A_13 = tpu.sem_alloc : memref<!tpu.dma_semaphore, #tpu.memory_space<semaphore_mem>>
      %dma_start3A = arith.constant 0 : i32
      %dma_start3A_14 = tpu.memref_slice %arg5[%add3A, %run_scoped3A, %dma_start3A] : memref<32x2x1024xf32, #tpu.memory_space<hbm>> -> memref<1x1x1024xf32, #tpu.memory_space<hbm>>
      %dma_start3A_15 = tpu.memref_squeeze %dma_start3A_14 : memref<1x1x1024xf32, #tpu.memory_space<hbm>> -> memref<1024xf32, #tpu.memory_space<hbm>>
      %dma_start3A_16 = arith.constant 0 : i32
      %dma_start3A_17 = tpu.memref_slice %arg5[%add3A, %run_scoped3A, %dma_start3A_16] : memref<32x2x1024xf32, #tpu.memory_space<hbm>> -> memref<1x1x1024xf32, #tpu.memory_space<hbm>>
      %dma_start3A_18 = tpu.memref_squeeze %dma_start3A_17 : memref<1x1x1024xf32, #tpu.memory_space<hbm>> -> memref<1024xf32, #tpu.memory_space<hbm>>
      tpu.enqueue_dma source(%arg9 : memref<1024xf32, #tpu.memory_space<vmem>>) target(%dma_start3A_18 : memref<1024xf32, #tpu.memory_space<hbm>>) target_semaphore(%run_scoped3A_13 : memref<!tpu.dma_semaphore, #tpu.memory_space<semaphore_mem>>)
      %dma_wait3A = arith.constant 0 : i32
      %dma_wait3A_19 = tpu.memref_slice %arg5[%add3A, %run_scoped3A, %dma_wait3A] : memref<32x2x1024xf32, #tpu.memory_space<hbm>> -> memref<1x1x1024xf32, #tpu.memory_space<hbm>>
      %dma_wait3A_20 = tpu.memref_squeeze %dma_wait3A_19 : memref<1x1x1024xf32, #tpu.memory_space<hbm>> -> memref<1024xf32, #tpu.memory_space<hbm>>
      %dma_wait3A_21 = arith.constant 0 : i32
      %dma_wait3A_22 = tpu.memref_slice %arg5[%add3A, %run_scoped3A, %dma_wait3A_21] : memref<32x2x1024xf32, #tpu.memory_space<hbm>> -> memref<1x1x1024xf32, #tpu.memory_space<hbm>>
      %dma_wait3A_23 = tpu.memref_squeeze %dma_wait3A_22 : memref<1x1x1024xf32, #tpu.memory_space<hbm>> -> memref<1024xf32, #tpu.memory_space<hbm>>
      tpu.wait_dma2 semaphore(%run_scoped3A_13 : memref<!tpu.dma_semaphore, #tpu.memory_space<semaphore_mem>>) src(%arg9 : memref<1024xf32, #tpu.memory_space<vmem>>) dst(%dma_wait3A_23 : memref<1024xf32, #tpu.memory_space<hbm>>)
      tpu.yield
    }) : () -> ()
    %run_scoped3A_12 = arith.constant 1 : i32
    "tpu.region"() ({
      %run_scoped3A_13 = tpu.sem_alloc : memref<!tpu.dma_semaphore, #tpu.memory_space<semaphore_mem>>
      %dma_start3A = arith.constant 0 : i32
      %dma_start3A_14 = tpu.memref_slice %arg5[%add3A, %run_scoped3A_12, %dma_start3A] : memref<32x2x1024xf32, #tpu.memory_space<hbm>> -> memref<1x1x1024xf32, #tpu.memory_space<hbm>>
      %dma_start3A_15 = tpu.memref_squeeze %dma_start3A_14 : memref<1x1x1024xf32, #tpu.memory_space<hbm>> -> memref<1024xf32, #tpu.memory_space<hbm>>
      %dma_start3A_16 = arith.constant 0 : i32
      %dma_start3A_17 = tpu.memref_slice %arg5[%add3A, %run_scoped3A_12, %dma_start3A_16] : memref<32x2x1024xf32, #tpu.memory_space<hbm>> -> memref<1x1x1024xf32, #tpu.memory_space<hbm>>
      %dma_start3A_18 = tpu.memref_squeeze %dma_start3A_17 : memref<1x1x1024xf32, #tpu.memory_space<hbm>> -> memref<1024xf32, #tpu.memory_space<hbm>>
      tpu.enqueue_dma source(%arg10 : memref<1024xf32, #tpu.memory_space<vmem>>) target(%dma_start3A_18 : memref<1024xf32, #tpu.memory_space<hbm>>) target_semaphore(%run_scoped3A_13 : memref<!tpu.dma_semaphore, #tpu.memory_space<semaphore_mem>>)
      %dma_wait3A = arith.constant 0 : i32
      %dma_wait3A_19 = tpu.memref_slice %arg5[%add3A, %run_scoped3A_12, %dma_wait3A] : memref<32x2x1024xf32, #tpu.memory_space<hbm>> -> memref<1x1x1024xf32, #tpu.memory_space<hbm>>
      %dma_wait3A_20 = tpu.memref_squeeze %dma_wait3A_19 : memref<1x1x1024xf32, #tpu.memory_space<hbm>> -> memref<1024xf32, #tpu.memory_space<hbm>>
      %dma_wait3A_21 = arith.constant 0 : i32
      %dma_wait3A_22 = tpu.memref_slice %arg5[%add3A, %run_scoped3A_12, %dma_wait3A_21] : memref<32x2x1024xf32, #tpu.memory_space<hbm>> -> memref<1x1x1024xf32, #tpu.memory_space<hbm>>
      %dma_wait3A_23 = tpu.memref_squeeze %dma_wait3A_22 : memref<1x1x1024xf32, #tpu.memory_space<hbm>> -> memref<1024xf32, #tpu.memory_space<hbm>>
      tpu.wait_dma2 semaphore(%run_scoped3A_13 : memref<!tpu.dma_semaphore, #tpu.memory_space<semaphore_mem>>) src(%arg10 : memref<1024xf32, #tpu.memory_space<vmem>>) dst(%dma_wait3A_23 : memref<1024xf32, #tpu.memory_space<hbm>>)
      tpu.yield
    }) : () -> ()
    return
  }
}

module attributes {stable_mosaic.version = 14 : i64} {
  func.func @_topk_body(%arg0: i32, %arg1: i32, %arg2: memref<1x512x1024xf32, #tpu.memory_space<vmem>>, %arg3: memref<1x512x20xi32, #tpu.memory_space<vmem>>) attributes {dimension_semantics = [#tpu.dimension_semantics<arbitrary>, #tpu.dimension_semantics<arbitrary>], iteration_bounds = array<i64: 16, 2>, scalar_prefetch = 0 : i64, scratch_operands = 0 : i64, tpu.core_type = #tpu.core_type<tc>, window_params = [{transform_indices = @transform_0, window_bounds = array<i64: 1, 512, 1024>}, {transform_indices = @transform_1, window_bounds = array<i64: 1, 512, 20>}]} {
    %get3A = arith.constant 0 : index
    %get3A_0 = arith.constant 0 : index
    %get3A_1 = arith.constant 0 : index
    %get3A_2 = vector.load %arg2[%get3A, %get3A_0, %get3A_1] : memref<1x512x1024xf32, #tpu.memory_space<vmem>>, vector<1x512x1024xf32>
    %get3A_3 = vector.shape_cast %get3A_2 : vector<1x512x1024xf32> to vector<512x1024xf32>
    %iota3A = tpu.iota {dimensions = array<i32: 1>} : vector<512x1024xi32>
    %reduce_max3A = arith.constant dense<0xFF800000> : vector<512xf32>
    %reduce_max3A_4 = vector.multi_reduction <maximumf>, %get3A_3, %reduce_max3A [1] : vector<512x1024xf32> to vector<512xf32>
    %broadcast_in_dim3A = vector.shape_cast %reduce_max3A_4 : vector<512xf32> to vector<512x1xf32>
    %eq3A = vector.broadcast %broadcast_in_dim3A : vector<512x1xf32> to vector<512x1024xf32>
    %eq3A_5 = arith.cmpf oeq, %get3A_3, %eq3A : vector<512x1024xf32>
    %jit3A = arith.constant 1073741824 : i32
    %broadcast_in_dim3A_6 = vector.broadcast %jit3A : i32 to vector<512x1024xi32>
    %select_n3A = arith.select %eq3A_5, %iota3A, %broadcast_in_dim3A_6 : vector<512x1024xi1>, vector<512x1024xi32>
    %reduce_min3A = arith.constant dense<2147483647> : vector<512xi32>
    %reduce_min3A_7 = vector.multi_reduction <minsi>, %select_n3A, %reduce_min3A [1] : vector<512x1024xi32> to vector<512xi32>
    %broadcast_in_dim3A_8 = vector.shape_cast %reduce_min3A_7 : vector<512xi32> to vector<512x1xi32>
    %swap3A = arith.constant 0 : index
    %swap3A_9 = arith.constant 0 : index
    %swap3A_10 = arith.constant 0 : index
    %swap3A_11 = vector.load %arg3[%swap3A, %swap3A_9, %swap3A_10] : memref<1x512x20xi32, #tpu.memory_space<vmem>>, vector<1x512x1xi32>
    %swap3A_12 = vector.shape_cast %swap3A_11 : vector<1x512x1xi32> to vector<512x1xi32>
    %swap3A_13 = vector.shape_cast %broadcast_in_dim3A_8 : vector<512x1xi32> to vector<1x512x1xi32>
    tpu.vector_store %arg3[%swap3A, %swap3A_9, %swap3A_10], %swap3A_13 {strides = array<i32>} : memref<1x512x20xi32, #tpu.memory_space<vmem>>, vector<1x512x1xi32>,
    %eq3A_14 = vector.broadcast %broadcast_in_dim3A_8 : vector<512x1xi32> to vector<512x1024xi32>
    %eq3A_15 = arith.cmpi eq, %select_n3A, %eq3A_14 : vector<512x1024xi32>
    %jit3A_16 = arith.constant -3.000000e+38 : f32
    %broadcast_in_dim3A_17 = vector.broadcast %jit3A_16 : f32 to vector<512x1024xf32>
    %select_n3A_18 = arith.select %eq3A_15, %broadcast_in_dim3A_17, %get3A_3 : vector<512x1024xi1>, vector<512x1024xf32>
    %reduce_max3A_19 = arith.constant dense<0xFF800000> : vector<512xf32>
    %reduce_max3A_20 = vector.multi_reduction <maximumf>, %select_n3A_18, %reduce_max3A_19 [1] : vector<512x1024xf32> to vector<512xf32>
    %broadcast_in_dim3A_21 = vector.shape_cast %reduce_max3A_20 : vector<512xf32> to vector<512x1xf32>
    %eq3A_22 = vector.broadcast %broadcast_in_dim3A_21 : vector<512x1xf32> to vector<512x1024xf32>
    %eq3A_23 = arith.cmpf oeq, %select_n3A_18, %eq3A_22 : vector<512x1024xf32>
    %jit3A_24 = arith.constant 1073741824 : i32
    %broadcast_in_dim3A_25 = vector.broadcast %jit3A_24 : i32 to vector<512x1024xi32>
    %select_n3A_26 = arith.select %eq3A_23, %iota3A, %broadcast_in_dim3A_25 : vector<512x1024xi1>, vector<512x1024xi32>
    %reduce_min3A_27 = arith.constant dense<2147483647> : vector<512xi32>
    %reduce_min3A_28 = vector.multi_reduction <minsi>, %select_n3A_26, %reduce_min3A_27 [1] : vector<512x1024xi32> to vector<512xi32>
    %broadcast_in_dim3A_29 = vector.shape_cast %reduce_min3A_28 : vector<512xi32> to vector<512x1xi32>
    %swap3A_30 = arith.constant 0 : index
    %swap3A_31 = arith.constant 0 : index
    %swap3A_32 = arith.constant 1 : index
    %swap3A_33 = vector.load %arg3[%swap3A_30, %swap3A_31, %swap3A_32] : memref<1x512x20xi32, #tpu.memory_space<vmem>>, vector<1x512x1xi32>
    %swap3A_34 = vector.shape_cast %swap3A_33 : vector<1x512x1xi32> to vector<512x1xi32>
    %swap3A_35 = vector.shape_cast %broadcast_in_dim3A_29 : vector<512x1xi32> to vector<1x512x1xi32>
    tpu.vector_store %arg3[%swap3A_30, %swap3A_31, %swap3A_32], %swap3A_35 {strides = array<i32>} : memref<1x512x20xi32, #tpu.memory_space<vmem>>, vector<1x512x1xi32>,
    %eq3A_36 = vector.broadcast %broadcast_in_dim3A_29 : vector<512x1xi32> to vector<512x1024xi32>
    %eq3A_37 = arith.cmpi eq, %select_n3A_26, %eq3A_36 : vector<512x1024xi32>
    %jit3A_38 = arith.constant -3.000000e+38 : f32
    %broadcast_in_dim3A_39 = vector.broadcast %jit3A_38 : f32 to vector<512x1024xf32>
    %select_n3A_40 = arith.select %eq3A_37, %broadcast_in_dim3A_39, %select_n3A_18 : vector<512x1024xi1>, vector<512x1024xf32>
    %reduce_max3A_41 = arith.constant dense<0xFF800000> : vector<512xf32>
    %reduce_max3A_42 = vector.multi_reduction <maximumf>, %select_n3A_40, %reduce_max3A_41 [1] : vector<512x1024xf32> to vector<512xf32>
    %broadcast_in_dim3A_43 = vector.shape_cast %reduce_max3A_42 : vector<512xf32> to vector<512x1xf32>
    %eq3A_44 = vector.broadcast %broadcast_in_dim3A_43 : vector<512x1xf32> to vector<512x1024xf32>
    %eq3A_45 = arith.cmpf oeq, %select_n3A_40, %eq3A_44 : vector<512x1024xf32>
    %jit3A_46 = arith.constant 1073741824 : i32
    %broadcast_in_dim3A_47 = vector.broadcast %jit3A_46 : i32 to vector<512x1024xi32>
    %select_n3A_48 = arith.select %eq3A_45, %iota3A, %broadcast_in_dim3A_47 : vector<512x1024xi1>, vector<512x1024xi32>
    %reduce_min3A_49 = arith.constant dense<2147483647> : vector<512xi32>
    %reduce_min3A_50 = vector.multi_reduction <minsi>, %select_n3A_48, %reduce_min3A_49 [1] : vector<512x1024xi32> to vector<512xi32>
    %broadcast_in_dim3A_51 = vector.shape_cast %reduce_min3A_50 : vector<512xi32> to vector<512x1xi32>
    %swap3A_52 = arith.constant 0 : index
    %swap3A_53 = arith.constant 0 : index
    %swap3A_54 = arith.constant 2 : index
    %swap3A_55 = vector.load %arg3[%swap3A_52, %swap3A_53, %swap3A_54] : memref<1x512x20xi32, #tpu.memory_space<vmem>>, vector<1x512x1xi32>
    %swap3A_56 = vector.shape_cast %swap3A_55 : vector<1x512x1xi32> to vector<512x1xi32>
    %swap3A_57 = vector.shape_cast %broadcast_in_dim3A_51 : vector<512x1xi32> to vector<1x512x1xi32>
    tpu.vector_store %arg3[%swap3A_52, %swap3A_53, %swap3A_54], %swap3A_57 {strides = array<i32>} : memref<1x512x20xi32, #tpu.memory_space<vmem>>, vector<1x512x1xi32>,
    %eq3A_58 = vector.broadcast %broadcast_in_dim3A_51 : vector<512x1xi32> to vector<512x1024xi32>
    %eq3A_59 = arith.cmpi eq, %select_n3A_48, %eq3A_58 : vector<512x1024xi32>
    %jit3A_60 = arith.constant -3.000000e+38 : f32
    %broadcast_in_dim3A_61 = vector.broadcast %jit3A_60 : f32 to vector<512x1024xf32>
    %select_n3A_62 = arith.select %eq3A_59, %broadcast_in_dim3A_61, %select_n3A_40 : vector<512x1024xi1>, vector<512x1024xf32>
    %reduce_max3A_63 = arith.constant dense<0xFF800000> : vector<512xf32>
    %reduce_max3A_64 = vector.multi_reduction <maximumf>, %select_n3A_62, %reduce_max3A_63 [1] : vector<512x1024xf32> to vector<512xf32>
    %broadcast_in_dim3A_65 = vector.shape_cast %reduce_max3A_64 : vector<512xf32> to vector<512x1xf32>
    %eq3A_66 = vector.broadcast %broadcast_in_dim3A_65 : vector<512x1xf32> to vector<512x1024xf32>
    %eq3A_67 = arith.cmpf oeq, %select_n3A_62, %eq3A_66 : vector<512x1024xf32>
    %jit3A_68 = arith.constant 1073741824 : i32
    %broadcast_in_dim3A_69 = vector.broadcast %jit3A_68 : i32 to vector<512x1024xi32>
    %select_n3A_70 = arith.select %eq3A_67, %iota3A, %broadcast_in_dim3A_69 : vector<512x1024xi1>, vector<512x1024xi32>
    %reduce_min3A_71 = arith.constant dense<2147483647> : vector<512xi32>
    %reduce_min3A_72 = vector.multi_reduction <minsi>, %select_n3A_70, %reduce_min3A_71 [1] : vector<512x1024xi32> to vector<512xi32>
    %broadcast_in_dim3A_73 = vector.shape_cast %reduce_min3A_72 : vector<512xi32> to vector<512x1xi32>
    %swap3A_74 = arith.constant 0 : index
    %swap3A_75 = arith.constant 0 : index
    %swap3A_76 = arith.constant 3 : index
    %swap3A_77 = vector.load %arg3[%swap3A_74, %swap3A_75, %swap3A_76] : memref<1x512x20xi32, #tpu.memory_space<vmem>>, vector<1x512x1xi32>
    %swap3A_78 = vector.shape_cast %swap3A_77 : vector<1x512x1xi32> to vector<512x1xi32>
    %swap3A_79 = vector.shape_cast %broadcast_in_dim3A_73 : vector<512x1xi32> to vector<1x512x1xi32>
    tpu.vector_store %arg3[%swap3A_74, %swap3A_75, %swap3A_76], %swap3A_79 {strides = array<i32>} : memref<1x512x20xi32, #tpu.memory_space<vmem>>, vector<1x512x1xi32>,
    %eq3A_80 = vector.broadcast %broadcast_in_dim3A_73 : vector<512x1xi32> to vector<512x1024xi32>
    %eq3A_81 = arith.cmpi eq, %select_n3A_70, %eq3A_80 : vector<512x1024xi32>
    %jit3A_82 = arith.constant -3.000000e+38 : f32
    %broadcast_in_dim3A_83 = vector.broadcast %jit3A_82 : f32 to vector<512x1024xf32>
    %select_n3A_84 = arith.select %eq3A_81, %broadcast_in_dim3A_83, %select_n3A_62 : vector<512x1024xi1>, vector<512x1024xf32>
    %reduce_max3A_85 = arith.constant dense<0xFF800000> : vector<512xf32>
    %reduce_max3A_86 = vector.multi_reduction <maximumf>, %select_n3A_84, %reduce_max3A_85 [1] : vector<512x1024xf32> to vector<512xf32>
    %broadcast_in_dim3A_87 = vector.shape_cast %reduce_max3A_86 : vector<512xf32> to vector<512x1xf32>
    %eq3A_88 = vector.broadcast %broadcast_in_dim3A_87 : vector<512x1xf32> to vector<512x1024xf32>
    %eq3A_89 = arith.cmpf oeq, %select_n3A_84, %eq3A_88 : vector<512x1024xf32>
    %jit3A_90 = arith.constant 1073741824 : i32
    %broadcast_in_dim3A_91 = vector.broadcast %jit3A_90 : i32 to vector<512x1024xi32>
    %select_n3A_92 = arith.select %eq3A_89, %iota3A, %broadcast_in_dim3A_91 : vector<512x1024xi1>, vector<512x1024xi32>
    %reduce_min3A_93 = arith.constant dense<2147483647> : vector<512xi32>
    %reduce_min3A_94 = vector.multi_reduction <minsi>, %select_n3A_92, %reduce_min3A_93 [1] : vector<512x1024xi32> to vector<512xi32>
    %broadcast_in_dim3A_95 = vector.shape_cast %reduce_min3A_94 : vector<512xi32> to vector<512x1xi32>
    %swap3A_96 = arith.constant 0 : index
    %swap3A_97 = arith.constant 0 : index
    %swap3A_98 = arith.constant 4 : index
    %swap3A_99 = vector.load %arg3[%swap3A_96, %swap3A_97, %swap3A_98] : memref<1x512x20xi32, #tpu.memory_space<vmem>>, vector<1x512x1xi32>
    %swap3A_100 = vector.shape_cast %swap3A_99 : vector<1x512x1xi32> to vector<512x1xi32>
    %swap3A_101 = vector.shape_cast %broadcast_in_dim3A_95 : vector<512x1xi32> to vector<1x512x1xi32>
    tpu.vector_store %arg3[%swap3A_96, %swap3A_97, %swap3A_98], %swap3A_101 {strides = array<i32>} : memref<1x512x20xi32, #tpu.memory_space<vmem>>, vector<1x512x1xi32>,
    %eq3A_102 = vector.broadcast %broadcast_in_dim3A_95 : vector<512x1xi32> to vector<512x1024xi32>
    %eq3A_103 = arith.cmpi eq, %select_n3A_92, %eq3A_102 : vector<512x1024xi32>
    %jit3A_104 = arith.constant -3.000000e+38 : f32
    %broadcast_in_dim3A_105 = vector.broadcast %jit3A_104 : f32 to vector<512x1024xf32>
    %select_n3A_106 = arith.select %eq3A_103, %broadcast_in_dim3A_105, %select_n3A_84 : vector<512x1024xi1>, vector<512x1024xf32>
    %reduce_max3A_107 = arith.constant dense<0xFF800000> : vector<512xf32>
    %reduce_max3A_108 = vector.multi_reduction <maximumf>, %select_n3A_106, %reduce_max3A_107 [1] : vector<512x1024xf32> to vector<512xf32>
    %broadcast_in_dim3A_109 = vector.shape_cast %reduce_max3A_108 : vector<512xf32> to vector<512x1xf32>
    %eq3A_110 = vector.broadcast %broadcast_in_dim3A_109 : vector<512x1xf32> to vector<512x1024xf32>
    %eq3A_111 = arith.cmpf oeq, %select_n3A_106, %eq3A_110 : vector<512x1024xf32>
    %jit3A_112 = arith.constant 1073741824 : i32
    %broadcast_in_dim3A_113 = vector.broadcast %jit3A_112 : i32 to vector<512x1024xi32>
    %select_n3A_114 = arith.select %eq3A_111, %iota3A, %broadcast_in_dim3A_113 : vector<512x1024xi1>, vector<512x1024xi32>
    %reduce_min3A_115 = arith.constant dense<2147483647> : vector<512xi32>
    %reduce_min3A_116 = vector.multi_reduction <minsi>, %select_n3A_114, %reduce_min3A_115 [1] : vector<512x1024xi32> to vector<512xi32>
    %broadcast_in_dim3A_117 = vector.shape_cast %reduce_min3A_116 : vector<512xi32> to vector<512x1xi32>
    %swap3A_118 = arith.constant 0 : index
    %swap3A_119 = arith.constant 0 : index
    %swap3A_120 = arith.constant 5 : index
    %swap3A_121 = vector.load %arg3[%swap3A_118, %swap3A_119, %swap3A_120] : memref<1x512x20xi32, #tpu.memory_space<vmem>>, vector<1x512x1xi32>
    %swap3A_122 = vector.shape_cast %swap3A_121 : vector<1x512x1xi32> to vector<512x1xi32>
    %swap3A_123 = vector.shape_cast %broadcast_in_dim3A_117 : vector<512x1xi32> to vector<1x512x1xi32>
    tpu.vector_store %arg3[%swap3A_118, %swap3A_119, %swap3A_120], %swap3A_123 {strides = array<i32>} : memref<1x512x20xi32, #tpu.memory_space<vmem>>, vector<1x512x1xi32>,
    %eq3A_124 = vector.broadcast %broadcast_in_dim3A_117 : vector<512x1xi32> to vector<512x1024xi32>
    %eq3A_125 = arith.cmpi eq, %select_n3A_114, %eq3A_124 : vector<512x1024xi32>
    %jit3A_126 = arith.constant -3.000000e+38 : f32
    %broadcast_in_dim3A_127 = vector.broadcast %jit3A_126 : f32 to vector<512x1024xf32>
    %select_n3A_128 = arith.select %eq3A_125, %broadcast_in_dim3A_127, %select_n3A_106 : vector<512x1024xi1>, vector<512x1024xf32>
    %reduce_max3A_129 = arith.constant dense<0xFF800000> : vector<512xf32>
    %reduce_max3A_130 = vector.multi_reduction <maximumf>, %select_n3A_128, %reduce_max3A_129 [1] : vector<512x1024xf32> to vector<512xf32>
    %broadcast_in_dim3A_131 = vector.shape_cast %reduce_max3A_130 : vector<512xf32> to vector<512x1xf32>
    %eq3A_132 = vector.broadcast %broadcast_in_dim3A_131 : vector<512x1xf32> to vector<512x1024xf32>
    %eq3A_133 = arith.cmpf oeq, %select_n3A_128, %eq3A_132 : vector<512x1024xf32>
    %jit3A_134 = arith.constant 1073741824 : i32
    %broadcast_in_dim3A_135 = vector.broadcast %jit3A_134 : i32 to vector<512x1024xi32>
    %select_n3A_136 = arith.select %eq3A_133, %iota3A, %broadcast_in_dim3A_135 : vector<512x1024xi1>, vector<512x1024xi32>
    %reduce_min3A_137 = arith.constant dense<2147483647> : vector<512xi32>
    %reduce_min3A_138 = vector.multi_reduction <minsi>, %select_n3A_136, %reduce_min3A_137 [1] : vector<512x1024xi32> to vector<512xi32>
    %broadcast_in_dim3A_139 = vector.shape_cast %reduce_min3A_138 : vector<512xi32> to vector<512x1xi32>
    %swap3A_140 = arith.constant 0 : index
    %swap3A_141 = arith.constant 0 : index
    %swap3A_142 = arith.constant 6 : index
    %swap3A_143 = vector.load %arg3[%swap3A_140, %swap3A_141, %swap3A_142] : memref<1x512x20xi32, #tpu.memory_space<vmem>>, vector<1x512x1xi32>
    %swap3A_144 = vector.shape_cast %swap3A_143 : vector<1x512x1xi32> to vector<512x1xi32>
    %swap3A_145 = vector.shape_cast %broadcast_in_dim3A_139 : vector<512x1xi32> to vector<1x512x1xi32>
    tpu.vector_store %arg3[%swap3A_140, %swap3A_141, %swap3A_142], %swap3A_145 {strides = array<i32>} : memref<1x512x20xi32, #tpu.memory_space<vmem>>, vector<1x512x1xi32>,
    %eq3A_146 = vector.broadcast %broadcast_in_dim3A_139 : vector<512x1xi32> to vector<512x1024xi32>
    %eq3A_147 = arith.cmpi eq, %select_n3A_136, %eq3A_146 : vector<512x1024xi32>
    %jit3A_148 = arith.constant -3.000000e+38 : f32
    %broadcast_in_dim3A_149 = vector.broadcast %jit3A_148 : f32 to vector<512x1024xf32>
    %select_n3A_150 = arith.select %eq3A_147, %broadcast_in_dim3A_149, %select_n3A_128 : vector<512x1024xi1>, vector<512x1024xf32>
    %reduce_max3A_151 = arith.constant dense<0xFF800000> : vector<512xf32>
    %reduce_max3A_152 = vector.multi_reduction <maximumf>, %select_n3A_150, %reduce_max3A_151 [1] : vector<512x1024xf32> to vector<512xf32>
    %broadcast_in_dim3A_153 = vector.shape_cast %reduce_max3A_152 : vector<512xf32> to vector<512x1xf32>
    %eq3A_154 = vector.broadcast %broadcast_in_dim3A_153 : vector<512x1xf32> to vector<512x1024xf32>
    %eq3A_155 = arith.cmpf oeq, %select_n3A_150, %eq3A_154 : vector<512x1024xf32>
    %jit3A_156 = arith.constant 1073741824 : i32
    %broadcast_in_dim3A_157 = vector.broadcast %jit3A_156 : i32 to vector<512x1024xi32>
    %select_n3A_158 = arith.select %eq3A_155, %iota3A, %broadcast_in_dim3A_157 : vector<512x1024xi1>, vector<512x1024xi32>
    %reduce_min3A_159 = arith.constant dense<2147483647> : vector<512xi32>
    %reduce_min3A_160 = vector.multi_reduction <minsi>, %select_n3A_158, %reduce_min3A_159 [1] : vector<512x1024xi32> to vector<512xi32>
    %broadcast_in_dim3A_161 = vector.shape_cast %reduce_min3A_160 : vector<512xi32> to vector<512x1xi32>
    %swap3A_162 = arith.constant 0 : index
    %swap3A_163 = arith.constant 0 : index
    %swap3A_164 = arith.constant 7 : index
    %swap3A_165 = vector.load %arg3[%swap3A_162, %swap3A_163, %swap3A_164] : memref<1x512x20xi32, #tpu.memory_space<vmem>>, vector<1x512x1xi32>
    %swap3A_166 = vector.shape_cast %swap3A_165 : vector<1x512x1xi32> to vector<512x1xi32>
    %swap3A_167 = vector.shape_cast %broadcast_in_dim3A_161 : vector<512x1xi32> to vector<1x512x1xi32>
    tpu.vector_store %arg3[%swap3A_162, %swap3A_163, %swap3A_164], %swap3A_167 {strides = array<i32>} : memref<1x512x20xi32, #tpu.memory_space<vmem>>, vector<1x512x1xi32>,
    %eq3A_168 = vector.broadcast %broadcast_in_dim3A_161 : vector<512x1xi32> to vector<512x1024xi32>
    %eq3A_169 = arith.cmpi eq, %select_n3A_158, %eq3A_168 : vector<512x1024xi32>
    %jit3A_170 = arith.constant -3.000000e+38 : f32
    %broadcast_in_dim3A_171 = vector.broadcast %jit3A_170 : f32 to vector<512x1024xf32>
    %select_n3A_172 = arith.select %eq3A_169, %broadcast_in_dim3A_171, %select_n3A_150 : vector<512x1024xi1>, vector<512x1024xf32>
    %reduce_max3A_173 = arith.constant dense<0xFF800000> : vector<512xf32>
    %reduce_max3A_174 = vector.multi_reduction <maximumf>, %select_n3A_172, %reduce_max3A_173 [1] : vector<512x1024xf32> to vector<512xf32>
    %broadcast_in_dim3A_175 = vector.shape_cast %reduce_max3A_174 : vector<512xf32> to vector<512x1xf32>
    %eq3A_176 = vector.broadcast %broadcast_in_dim3A_175 : vector<512x1xf32> to vector<512x1024xf32>
    %eq3A_177 = arith.cmpf oeq, %select_n3A_172, %eq3A_176 : vector<512x1024xf32>
    %jit3A_178 = arith.constant 1073741824 : i32
    %broadcast_in_dim3A_179 = vector.broadcast %jit3A_178 : i32 to vector<512x1024xi32>
    %select_n3A_180 = arith.select %eq3A_177, %iota3A, %broadcast_in_dim3A_179 : vector<512x1024xi1>, vector<512x1024xi32>
    %reduce_min3A_181 = arith.constant dense<2147483647> : vector<512xi32>
    %reduce_min3A_182 = vector.multi_reduction <minsi>, %select_n3A_180, %reduce_min3A_181 [1] : vector<512x1024xi32> to vector<512xi32>
    %broadcast_in_dim3A_183 = vector.shape_cast %reduce_min3A_182 : vector<512xi32> to vector<512x1xi32>
    %swap3A_184 = arith.constant 0 : index
    %swap3A_185 = arith.constant 0 : index
    %swap3A_186 = arith.constant 8 : index
    %swap3A_187 = vector.load %arg3[%swap3A_184, %swap3A_185, %swap3A_186] : memref<1x512x20xi32, #tpu.memory_space<vmem>>, vector<1x512x1xi32>
    %swap3A_188 = vector.shape_cast %swap3A_187 : vector<1x512x1xi32> to vector<512x1xi32>
    %swap3A_189 = vector.shape_cast %broadcast_in_dim3A_183 : vector<512x1xi32> to vector<1x512x1xi32>
    tpu.vector_store %arg3[%swap3A_184, %swap3A_185, %swap3A_186], %swap3A_189 {strides = array<i32>} : memref<1x512x20xi32, #tpu.memory_space<vmem>>, vector<1x512x1xi32>,
    %eq3A_190 = vector.broadcast %broadcast_in_dim3A_183 : vector<512x1xi32> to vector<512x1024xi32>
    %eq3A_191 = arith.cmpi eq, %select_n3A_180, %eq3A_190 : vector<512x1024xi32>
    %jit3A_192 = arith.constant -3.000000e+38 : f32
    %broadcast_in_dim3A_193 = vector.broadcast %jit3A_192 : f32 to vector<512x1024xf32>
    %select_n3A_194 = arith.select %eq3A_191, %broadcast_in_dim3A_193, %select_n3A_172 : vector<512x1024xi1>, vector<512x1024xf32>
    %reduce_max3A_195 = arith.constant dense<0xFF800000> : vector<512xf32>
    %reduce_max3A_196 = vector.multi_reduction <maximumf>, %select_n3A_194, %reduce_max3A_195 [1] : vector<512x1024xf32> to vector<512xf32>
    %broadcast_in_dim3A_197 = vector.shape_cast %reduce_max3A_196 : vector<512xf32> to vector<512x1xf32>
    %eq3A_198 = vector.broadcast %broadcast_in_dim3A_197 : vector<512x1xf32> to vector<512x1024xf32>
    %eq3A_199 = arith.cmpf oeq, %select_n3A_194, %eq3A_198 : vector<512x1024xf32>
    %jit3A_200 = arith.constant 1073741824 : i32
    %broadcast_in_dim3A_201 = vector.broadcast %jit3A_200 : i32 to vector<512x1024xi32>
    %select_n3A_202 = arith.select %eq3A_199, %iota3A, %broadcast_in_dim3A_201 : vector<512x1024xi1>, vector<512x1024xi32>
    %reduce_min3A_203 = arith.constant dense<2147483647> : vector<512xi32>
    %reduce_min3A_204 = vector.multi_reduction <minsi>, %select_n3A_202, %reduce_min3A_203 [1] : vector<512x1024xi32> to vector<512xi32>
    %broadcast_in_dim3A_205 = vector.shape_cast %reduce_min3A_204 : vector<512xi32> to vector<512x1xi32>
    %swap3A_206 = arith.constant 0 : index
    %swap3A_207 = arith.constant 0 : index
    %swap3A_208 = arith.constant 9 : index
    %swap3A_209 = vector.load %arg3[%swap3A_206, %swap3A_207, %swap3A_208] : memref<1x512x20xi32, #tpu.memory_space<vmem>>, vector<1x512x1xi32>
    %swap3A_210 = vector.shape_cast %swap3A_209 : vector<1x512x1xi32> to vector<512x1xi32>
    %swap3A_211 = vector.shape_cast %broadcast_in_dim3A_205 : vector<512x1xi32> to vector<1x512x1xi32>
    tpu.vector_store %arg3[%swap3A_206, %swap3A_207, %swap3A_208], %swap3A_211 {strides = array<i32>} : memref<1x512x20xi32, #tpu.memory_space<vmem>>, vector<1x512x1xi32>,
    %eq3A_212 = vector.broadcast %broadcast_in_dim3A_205 : vector<512x1xi32> to vector<512x1024xi32>
    %eq3A_213 = arith.cmpi eq, %select_n3A_202, %eq3A_212 : vector<512x1024xi32>
    %jit3A_214 = arith.constant -3.000000e+38 : f32
    %broadcast_in_dim3A_215 = vector.broadcast %jit3A_214 : f32 to vector<512x1024xf32>
    %select_n3A_216 = arith.select %eq3A_213, %broadcast_in_dim3A_215, %select_n3A_194 : vector<512x1024xi1>, vector<512x1024xf32>
    %reduce_max3A_217 = arith.constant dense<0xFF800000> : vector<512xf32>
    %reduce_max3A_218 = vector.multi_reduction <maximumf>, %select_n3A_216, %reduce_max3A_217 [1] : vector<512x1024xf32> to vector<512xf32>
    %broadcast_in_dim3A_219 = vector.shape_cast %reduce_max3A_218 : vector<512xf32> to vector<512x1xf32>
    %eq3A_220 = vector.broadcast %broadcast_in_dim3A_219 : vector<512x1xf32> to vector<512x1024xf32>
    %eq3A_221 = arith.cmpf oeq, %select_n3A_216, %eq3A_220 : vector<512x1024xf32>
    %jit3A_222 = arith.constant 1073741824 : i32
    %broadcast_in_dim3A_223 = vector.broadcast %jit3A_222 : i32 to vector<512x1024xi32>
    %select_n3A_224 = arith.select %eq3A_221, %iota3A, %broadcast_in_dim3A_223 : vector<512x1024xi1>, vector<512x1024xi32>
    %reduce_min3A_225 = arith.constant dense<2147483647> : vector<512xi32>
    %reduce_min3A_226 = vector.multi_reduction <minsi>, %select_n3A_224, %reduce_min3A_225 [1] : vector<512x1024xi32> to vector<512xi32>
    %broadcast_in_dim3A_227 = vector.shape_cast %reduce_min3A_226 : vector<512xi32> to vector<512x1xi32>
    %swap3A_228 = arith.constant 0 : index
    %swap3A_229 = arith.constant 0 : index
    %swap3A_230 = arith.constant 10 : index
    %swap3A_231 = vector.load %arg3[%swap3A_228, %swap3A_229, %swap3A_230] : memref<1x512x20xi32, #tpu.memory_space<vmem>>, vector<1x512x1xi32>
    %swap3A_232 = vector.shape_cast %swap3A_231 : vector<1x512x1xi32> to vector<512x1xi32>
    %swap3A_233 = vector.shape_cast %broadcast_in_dim3A_227 : vector<512x1xi32> to vector<1x512x1xi32>
    tpu.vector_store %arg3[%swap3A_228, %swap3A_229, %swap3A_230], %swap3A_233 {strides = array<i32>} : memref<1x512x20xi32, #tpu.memory_space<vmem>>, vector<1x512x1xi32>,
    %eq3A_234 = vector.broadcast %broadcast_in_dim3A_227 : vector<512x1xi32> to vector<512x1024xi32>
    %eq3A_235 = arith.cmpi eq, %select_n3A_224, %eq3A_234 : vector<512x1024xi32>
    %jit3A_236 = arith.constant -3.000000e+38 : f32
    %broadcast_in_dim3A_237 = vector.broadcast %jit3A_236 : f32 to vector<512x1024xf32>
    %select_n3A_238 = arith.select %eq3A_235, %broadcast_in_dim3A_237, %select_n3A_216 : vector<512x1024xi1>, vector<512x1024xf32>
    %reduce_max3A_239 = arith.constant dense<0xFF800000> : vector<512xf32>
    %reduce_max3A_240 = vector.multi_reduction <maximumf>, %select_n3A_238, %reduce_max3A_239 [1] : vector<512x1024xf32> to vector<512xf32>
    %broadcast_in_dim3A_241 = vector.shape_cast %reduce_max3A_240 : vector<512xf32> to vector<512x1xf32>
    %eq3A_242 = vector.broadcast %broadcast_in_dim3A_241 : vector<512x1xf32> to vector<512x1024xf32>
    %eq3A_243 = arith.cmpf oeq, %select_n3A_238, %eq3A_242 : vector<512x1024xf32>
    %jit3A_244 = arith.constant 1073741824 : i32
    %broadcast_in_dim3A_245 = vector.broadcast %jit3A_244 : i32 to vector<512x1024xi32>
    %select_n3A_246 = arith.select %eq3A_243, %iota3A, %broadcast_in_dim3A_245 : vector<512x1024xi1>, vector<512x1024xi32>
    %reduce_min3A_247 = arith.constant dense<2147483647> : vector<512xi32>
    %reduce_min3A_248 = vector.multi_reduction <minsi>, %select_n3A_246, %reduce_min3A_247 [1] : vector<512x1024xi32> to vector<512xi32>
    %broadcast_in_dim3A_249 = vector.shape_cast %reduce_min3A_248 : vector<512xi32> to vector<512x1xi32>
    %swap3A_250 = arith.constant 0 : index
    %swap3A_251 = arith.constant 0 : index
    %swap3A_252 = arith.constant 11 : index
    %swap3A_253 = vector.load %arg3[%swap3A_250, %swap3A_251, %swap3A_252] : memref<1x512x20xi32, #tpu.memory_space<vmem>>, vector<1x512x1xi32>
    %swap3A_254 = vector.shape_cast %swap3A_253 : vector<1x512x1xi32> to vector<512x1xi32>
    %swap3A_255 = vector.shape_cast %broadcast_in_dim3A_249 : vector<512x1xi32> to vector<1x512x1xi32>
    tpu.vector_store %arg3[%swap3A_250, %swap3A_251, %swap3A_252], %swap3A_255 {strides = array<i32>} : memref<1x512x20xi32, #tpu.memory_space<vmem>>, vector<1x512x1xi32>,
    %eq3A_256 = vector.broadcast %broadcast_in_dim3A_249 : vector<512x1xi32> to vector<512x1024xi32>
    %eq3A_257 = arith.cmpi eq, %select_n3A_246, %eq3A_256 : vector<512x1024xi32>
    %jit3A_258 = arith.constant -3.000000e+38 : f32
    %broadcast_in_dim3A_259 = vector.broadcast %jit3A_258 : f32 to vector<512x1024xf32>
    %select_n3A_260 = arith.select %eq3A_257, %broadcast_in_dim3A_259, %select_n3A_238 : vector<512x1024xi1>, vector<512x1024xf32>
    %reduce_max3A_261 = arith.constant dense<0xFF800000> : vector<512xf32>
    %reduce_max3A_262 = vector.multi_reduction <maximumf>, %select_n3A_260, %reduce_max3A_261 [1] : vector<512x1024xf32> to vector<512xf32>
    %broadcast_in_dim3A_263 = vector.shape_cast %reduce_max3A_262 : vector<512xf32> to vector<512x1xf32>
    %eq3A_264 = vector.broadcast %broadcast_in_dim3A_263 : vector<512x1xf32> to vector<512x1024xf32>
    %eq3A_265 = arith.cmpf oeq, %select_n3A_260, %eq3A_264 : vector<512x1024xf32>
    %jit3A_266 = arith.constant 1073741824 : i32
    %broadcast_in_dim3A_267 = vector.broadcast %jit3A_266 : i32 to vector<512x1024xi32>
    %select_n3A_268 = arith.select %eq3A_265, %iota3A, %broadcast_in_dim3A_267 : vector<512x1024xi1>, vector<512x1024xi32>
    %reduce_min3A_269 = arith.constant dense<2147483647> : vector<512xi32>
    %reduce_min3A_270 = vector.multi_reduction <minsi>, %select_n3A_268, %reduce_min3A_269 [1] : vector<512x1024xi32> to vector<512xi32>
    %broadcast_in_dim3A_271 = vector.shape_cast %reduce_min3A_270 : vector<512xi32> to vector<512x1xi32>
    %swap3A_272 = arith.constant 0 : index
    %swap3A_273 = arith.constant 0 : index
    %swap3A_274 = arith.constant 12 : index
    %swap3A_275 = vector.load %arg3[%swap3A_272, %swap3A_273, %swap3A_274] : memref<1x512x20xi32, #tpu.memory_space<vmem>>, vector<1x512x1xi32>
    %swap3A_276 = vector.shape_cast %swap3A_275 : vector<1x512x1xi32> to vector<512x1xi32>
    %swap3A_277 = vector.shape_cast %broadcast_in_dim3A_271 : vector<512x1xi32> to vector<1x512x1xi32>
    tpu.vector_store %arg3[%swap3A_272, %swap3A_273, %swap3A_274], %swap3A_277 {strides = array<i32>} : memref<1x512x20xi32, #tpu.memory_space<vmem>>, vector<1x512x1xi32>,
    %eq3A_278 = vector.broadcast %broadcast_in_dim3A_271 : vector<512x1xi32> to vector<512x1024xi32>
    %eq3A_279 = arith.cmpi eq, %select_n3A_268, %eq3A_278 : vector<512x1024xi32>
    %jit3A_280 = arith.constant -3.000000e+38 : f32
    %broadcast_in_dim3A_281 = vector.broadcast %jit3A_280 : f32 to vector<512x1024xf32>
    %select_n3A_282 = arith.select %eq3A_279, %broadcast_in_dim3A_281, %select_n3A_260 : vector<512x1024xi1>, vector<512x1024xf32>
    %reduce_max3A_283 = arith.constant dense<0xFF800000> : vector<512xf32>
    %reduce_max3A_284 = vector.multi_reduction <maximumf>, %select_n3A_282, %reduce_max3A_283 [1] : vector<512x1024xf32> to vector<512xf32>
    %broadcast_in_dim3A_285 = vector.shape_cast %reduce_max3A_284 : vector<512xf32> to vector<512x1xf32>
    %eq3A_286 = vector.broadcast %broadcast_in_dim3A_285 : vector<512x1xf32> to vector<512x1024xf32>
    %eq3A_287 = arith.cmpf oeq, %select_n3A_282, %eq3A_286 : vector<512x1024xf32>
    %jit3A_288 = arith.constant 1073741824 : i32
    %broadcast_in_dim3A_289 = vector.broadcast %jit3A_288 : i32 to vector<512x1024xi32>
    %select_n3A_290 = arith.select %eq3A_287, %iota3A, %broadcast_in_dim3A_289 : vector<512x1024xi1>, vector<512x1024xi32>
    %reduce_min3A_291 = arith.constant dense<2147483647> : vector<512xi32>
    %reduce_min3A_292 = vector.multi_reduction <minsi>, %select_n3A_290, %reduce_min3A_291 [1] : vector<512x1024xi32> to vector<512xi32>
    %broadcast_in_dim3A_293 = vector.shape_cast %reduce_min3A_292 : vector<512xi32> to vector<512x1xi32>
    %swap3A_294 = arith.constant 0 : index
    %swap3A_295 = arith.constant 0 : index
    %swap3A_296 = arith.constant 13 : index
    %swap3A_297 = vector.load %arg3[%swap3A_294, %swap3A_295, %swap3A_296] : memref<1x512x20xi32, #tpu.memory_space<vmem>>, vector<1x512x1xi32>
    %swap3A_298 = vector.shape_cast %swap3A_297 : vector<1x512x1xi32> to vector<512x1xi32>
    %swap3A_299 = vector.shape_cast %broadcast_in_dim3A_293 : vector<512x1xi32> to vector<1x512x1xi32>
    tpu.vector_store %arg3[%swap3A_294, %swap3A_295, %swap3A_296], %swap3A_299 {strides = array<i32>} : memref<1x512x20xi32, #tpu.memory_space<vmem>>, vector<1x512x1xi32>,
    %eq3A_300 = vector.broadcast %broadcast_in_dim3A_293 : vector<512x1xi32> to vector<512x1024xi32>
    %eq3A_301 = arith.cmpi eq, %select_n3A_290, %eq3A_300 : vector<512x1024xi32>
    %jit3A_302 = arith.constant -3.000000e+38 : f32
    %broadcast_in_dim3A_303 = vector.broadcast %jit3A_302 : f32 to vector<512x1024xf32>
    %select_n3A_304 = arith.select %eq3A_301, %broadcast_in_dim3A_303, %select_n3A_282 : vector<512x1024xi1>, vector<512x1024xf32>
    %reduce_max3A_305 = arith.constant dense<0xFF800000> : vector<512xf32>
    %reduce_max3A_306 = vector.multi_reduction <maximumf>, %select_n3A_304, %reduce_max3A_305 [1] : vector<512x1024xf32> to vector<512xf32>
    %broadcast_in_dim3A_307 = vector.shape_cast %reduce_max3A_306 : vector<512xf32> to vector<512x1xf32>
    %eq3A_308 = vector.broadcast %broadcast_in_dim3A_307 : vector<512x1xf32> to vector<512x1024xf32>
    %eq3A_309 = arith.cmpf oeq, %select_n3A_304, %eq3A_308 : vector<512x1024xf32>
    %jit3A_310 = arith.constant 1073741824 : i32
    %broadcast_in_dim3A_311 = vector.broadcast %jit3A_310 : i32 to vector<512x1024xi32>
    %select_n3A_312 = arith.select %eq3A_309, %iota3A, %broadcast_in_dim3A_311 : vector<512x1024xi1>, vector<512x1024xi32>
    %reduce_min3A_313 = arith.constant dense<2147483647> : vector<512xi32>
    %reduce_min3A_314 = vector.multi_reduction <minsi>, %select_n3A_312, %reduce_min3A_313 [1] : vector<512x1024xi32> to vector<512xi32>
    %broadcast_in_dim3A_315 = vector.shape_cast %reduce_min3A_314 : vector<512xi32> to vector<512x1xi32>
    %swap3A_316 = arith.constant 0 : index
    %swap3A_317 = arith.constant 0 : index
    %swap3A_318 = arith.constant 14 : index
    %swap3A_319 = vector.load %arg3[%swap3A_316, %swap3A_317, %swap3A_318] : memref<1x512x20xi32, #tpu.memory_space<vmem>>, vector<1x512x1xi32>
    %swap3A_320 = vector.shape_cast %swap3A_319 : vector<1x512x1xi32> to vector<512x1xi32>
    %swap3A_321 = vector.shape_cast %broadcast_in_dim3A_315 : vector<512x1xi32> to vector<1x512x1xi32>
    tpu.vector_store %arg3[%swap3A_316, %swap3A_317, %swap3A_318], %swap3A_321 {strides = array<i32>} : memref<1x512x20xi32, #tpu.memory_space<vmem>>, vector<1x512x1xi32>,
    %eq3A_322 = vector.broadcast %broadcast_in_dim3A_315 : vector<512x1xi32> to vector<512x1024xi32>
    %eq3A_323 = arith.cmpi eq, %select_n3A_312, %eq3A_322 : vector<512x1024xi32>
    %jit3A_324 = arith.constant -3.000000e+38 : f32
    %broadcast_in_dim3A_325 = vector.broadcast %jit3A_324 : f32 to vector<512x1024xf32>
    %select_n3A_326 = arith.select %eq3A_323, %broadcast_in_dim3A_325, %select_n3A_304 : vector<512x1024xi1>, vector<512x1024xf32>
    %reduce_max3A_327 = arith.constant dense<0xFF800000> : vector<512xf32>
    %reduce_max3A_328 = vector.multi_reduction <maximumf>, %select_n3A_326, %reduce_max3A_327 [1] : vector<512x1024xf32> to vector<512xf32>
    %broadcast_in_dim3A_329 = vector.shape_cast %reduce_max3A_328 : vector<512xf32> to vector<512x1xf32>
    %eq3A_330 = vector.broadcast %broadcast_in_dim3A_329 : vector<512x1xf32> to vector<512x1024xf32>
    %eq3A_331 = arith.cmpf oeq, %select_n3A_326, %eq3A_330 : vector<512x1024xf32>
    %jit3A_332 = arith.constant 1073741824 : i32
    %broadcast_in_dim3A_333 = vector.broadcast %jit3A_332 : i32 to vector<512x1024xi32>
    %select_n3A_334 = arith.select %eq3A_331, %iota3A, %broadcast_in_dim3A_333 : vector<512x1024xi1>, vector<512x1024xi32>
    %reduce_min3A_335 = arith.constant dense<2147483647> : vector<512xi32>
    %reduce_min3A_336 = vector.multi_reduction <minsi>, %select_n3A_334, %reduce_min3A_335 [1] : vector<512x1024xi32> to vector<512xi32>
    %broadcast_in_dim3A_337 = vector.shape_cast %reduce_min3A_336 : vector<512xi32> to vector<512x1xi32>
    %swap3A_338 = arith.constant 0 : index
    %swap3A_339 = arith.constant 0 : index
    %swap3A_340 = arith.constant 15 : index
    %swap3A_341 = vector.load %arg3[%swap3A_338, %swap3A_339, %swap3A_340] : memref<1x512x20xi32, #tpu.memory_space<vmem>>, vector<1x512x1xi32>
    %swap3A_342 = vector.shape_cast %swap3A_341 : vector<1x512x1xi32> to vector<512x1xi32>
    %swap3A_343 = vector.shape_cast %broadcast_in_dim3A_337 : vector<512x1xi32> to vector<1x512x1xi32>
    tpu.vector_store %arg3[%swap3A_338, %swap3A_339, %swap3A_340], %swap3A_343 {strides = array<i32>} : memref<1x512x20xi32, #tpu.memory_space<vmem>>, vector<1x512x1xi32>,
    %eq3A_344 = vector.broadcast %broadcast_in_dim3A_337 : vector<512x1xi32> to vector<512x1024xi32>
    %eq3A_345 = arith.cmpi eq, %select_n3A_334, %eq3A_344 : vector<512x1024xi32>
    %jit3A_346 = arith.constant -3.000000e+38 : f32
    %broadcast_in_dim3A_347 = vector.broadcast %jit3A_346 : f32 to vector<512x1024xf32>
    %select_n3A_348 = arith.select %eq3A_345, %broadcast_in_dim3A_347, %select_n3A_326 : vector<512x1024xi1>, vector<512x1024xf32>
    %reduce_max3A_349 = arith.constant dense<0xFF800000> : vector<512xf32>
    %reduce_max3A_350 = vector.multi_reduction <maximumf>, %select_n3A_348, %reduce_max3A_349 [1] : vector<512x1024xf32> to vector<512xf32>
    %broadcast_in_dim3A_351 = vector.shape_cast %reduce_max3A_350 : vector<512xf32> to vector<512x1xf32>
    %eq3A_352 = vector.broadcast %broadcast_in_dim3A_351 : vector<512x1xf32> to vector<512x1024xf32>
    %eq3A_353 = arith.cmpf oeq, %select_n3A_348, %eq3A_352 : vector<512x1024xf32>
    %jit3A_354 = arith.constant 1073741824 : i32
    %broadcast_in_dim3A_355 = vector.broadcast %jit3A_354 : i32 to vector<512x1024xi32>
    %select_n3A_356 = arith.select %eq3A_353, %iota3A, %broadcast_in_dim3A_355 : vector<512x1024xi1>, vector<512x1024xi32>
    %reduce_min3A_357 = arith.constant dense<2147483647> : vector<512xi32>
    %reduce_min3A_358 = vector.multi_reduction <minsi>, %select_n3A_356, %reduce_min3A_357 [1] : vector<512x1024xi32> to vector<512xi32>
    %broadcast_in_dim3A_359 = vector.shape_cast %reduce_min3A_358 : vector<512xi32> to vector<512x1xi32>
    %swap3A_360 = arith.constant 0 : index
    %swap3A_361 = arith.constant 0 : index
    %swap3A_362 = arith.constant 16 : index
    %swap3A_363 = vector.load %arg3[%swap3A_360, %swap3A_361, %swap3A_362] : memref<1x512x20xi32, #tpu.memory_space<vmem>>, vector<1x512x1xi32>
    %swap3A_364 = vector.shape_cast %swap3A_363 : vector<1x512x1xi32> to vector<512x1xi32>
    %swap3A_365 = vector.shape_cast %broadcast_in_dim3A_359 : vector<512x1xi32> to vector<1x512x1xi32>
    tpu.vector_store %arg3[%swap3A_360, %swap3A_361, %swap3A_362], %swap3A_365 {strides = array<i32>} : memref<1x512x20xi32, #tpu.memory_space<vmem>>, vector<1x512x1xi32>,
    %eq3A_366 = vector.broadcast %broadcast_in_dim3A_359 : vector<512x1xi32> to vector<512x1024xi32>
    %eq3A_367 = arith.cmpi eq, %select_n3A_356, %eq3A_366 : vector<512x1024xi32>
    %jit3A_368 = arith.constant -3.000000e+38 : f32
    %broadcast_in_dim3A_369 = vector.broadcast %jit3A_368 : f32 to vector<512x1024xf32>
    %select_n3A_370 = arith.select %eq3A_367, %broadcast_in_dim3A_369, %select_n3A_348 : vector<512x1024xi1>, vector<512x1024xf32>
    %reduce_max3A_371 = arith.constant dense<0xFF800000> : vector<512xf32>
    %reduce_max3A_372 = vector.multi_reduction <maximumf>, %select_n3A_370, %reduce_max3A_371 [1] : vector<512x1024xf32> to vector<512xf32>
    %broadcast_in_dim3A_373 = vector.shape_cast %reduce_max3A_372 : vector<512xf32> to vector<512x1xf32>
    %eq3A_374 = vector.broadcast %broadcast_in_dim3A_373 : vector<512x1xf32> to vector<512x1024xf32>
    %eq3A_375 = arith.cmpf oeq, %select_n3A_370, %eq3A_374 : vector<512x1024xf32>
    %jit3A_376 = arith.constant 1073741824 : i32
    %broadcast_in_dim3A_377 = vector.broadcast %jit3A_376 : i32 to vector<512x1024xi32>
    %select_n3A_378 = arith.select %eq3A_375, %iota3A, %broadcast_in_dim3A_377 : vector<512x1024xi1>, vector<512x1024xi32>
    %reduce_min3A_379 = arith.constant dense<2147483647> : vector<512xi32>
    %reduce_min3A_380 = vector.multi_reduction <minsi>, %select_n3A_378, %reduce_min3A_379 [1] : vector<512x1024xi32> to vector<512xi32>
    %broadcast_in_dim3A_381 = vector.shape_cast %reduce_min3A_380 : vector<512xi32> to vector<512x1xi32>
    %swap3A_382 = arith.constant 0 : index
    %swap3A_383 = arith.constant 0 : index
    %swap3A_384 = arith.constant 17 : index
    %swap3A_385 = vector.load %arg3[%swap3A_382, %swap3A_383, %swap3A_384] : memref<1x512x20xi32, #tpu.memory_space<vmem>>, vector<1x512x1xi32>
    %swap3A_386 = vector.shape_cast %swap3A_385 : vector<1x512x1xi32> to vector<512x1xi32>
    %swap3A_387 = vector.shape_cast %broadcast_in_dim3A_381 : vector<512x1xi32> to vector<1x512x1xi32>
    tpu.vector_store %arg3[%swap3A_382, %swap3A_383, %swap3A_384], %swap3A_387 {strides = array<i32>} : memref<1x512x20xi32, #tpu.memory_space<vmem>>, vector<1x512x1xi32>,
    %eq3A_388 = vector.broadcast %broadcast_in_dim3A_381 : vector<512x1xi32> to vector<512x1024xi32>
    %eq3A_389 = arith.cmpi eq, %select_n3A_378, %eq3A_388 : vector<512x1024xi32>
    %jit3A_390 = arith.constant -3.000000e+38 : f32
    %broadcast_in_dim3A_391 = vector.broadcast %jit3A_390 : f32 to vector<512x1024xf32>
    %select_n3A_392 = arith.select %eq3A_389, %broadcast_in_dim3A_391, %select_n3A_370 : vector<512x1024xi1>, vector<512x1024xf32>
    %reduce_max3A_393 = arith.constant dense<0xFF800000> : vector<512xf32>
    %reduce_max3A_394 = vector.multi_reduction <maximumf>, %select_n3A_392, %reduce_max3A_393 [1] : vector<512x1024xf32> to vector<512xf32>
    %broadcast_in_dim3A_395 = vector.shape_cast %reduce_max3A_394 : vector<512xf32> to vector<512x1xf32>
    %eq3A_396 = vector.broadcast %broadcast_in_dim3A_395 : vector<512x1xf32> to vector<512x1024xf32>
    %eq3A_397 = arith.cmpf oeq, %select_n3A_392, %eq3A_396 : vector<512x1024xf32>
    %jit3A_398 = arith.constant 1073741824 : i32
    %broadcast_in_dim3A_399 = vector.broadcast %jit3A_398 : i32 to vector<512x1024xi32>
    %select_n3A_400 = arith.select %eq3A_397, %iota3A, %broadcast_in_dim3A_399 : vector<512x1024xi1>, vector<512x1024xi32>
    %reduce_min3A_401 = arith.constant dense<2147483647> : vector<512xi32>
    %reduce_min3A_402 = vector.multi_reduction <minsi>, %select_n3A_400, %reduce_min3A_401 [1] : vector<512x1024xi32> to vector<512xi32>
    %broadcast_in_dim3A_403 = vector.shape_cast %reduce_min3A_402 : vector<512xi32> to vector<512x1xi32>
    %swap3A_404 = arith.constant 0 : index
    %swap3A_405 = arith.constant 0 : index
    %swap3A_406 = arith.constant 18 : index
    %swap3A_407 = vector.load %arg3[%swap3A_404, %swap3A_405, %swap3A_406] : memref<1x512x20xi32, #tpu.memory_space<vmem>>, vector<1x512x1xi32>
    %swap3A_408 = vector.shape_cast %swap3A_407 : vector<1x512x1xi32> to vector<512x1xi32>
    %swap3A_409 = vector.shape_cast %broadcast_in_dim3A_403 : vector<512x1xi32> to vector<1x512x1xi32>
    tpu.vector_store %arg3[%swap3A_404, %swap3A_405, %swap3A_406], %swap3A_409 {strides = array<i32>} : memref<1x512x20xi32, #tpu.memory_space<vmem>>, vector<1x512x1xi32>,
    %eq3A_410 = vector.broadcast %broadcast_in_dim3A_403 : vector<512x1xi32> to vector<512x1024xi32>
    %eq3A_411 = arith.cmpi eq, %select_n3A_400, %eq3A_410 : vector<512x1024xi32>
    %jit3A_412 = arith.constant -3.000000e+38 : f32
    %broadcast_in_dim3A_413 = vector.broadcast %jit3A_412 : f32 to vector<512x1024xf32>
    %select_n3A_414 = arith.select %eq3A_411, %broadcast_in_dim3A_413, %select_n3A_392 : vector<512x1024xi1>, vector<512x1024xf32>
    %reduce_max3A_415 = arith.constant dense<0xFF800000> : vector<512xf32>
    %reduce_max3A_416 = vector.multi_reduction <maximumf>, %select_n3A_414, %reduce_max3A_415 [1] : vector<512x1024xf32> to vector<512xf32>
    %broadcast_in_dim3A_417 = vector.shape_cast %reduce_max3A_416 : vector<512xf32> to vector<512x1xf32>
    %eq3A_418 = vector.broadcast %broadcast_in_dim3A_417 : vector<512x1xf32> to vector<512x1024xf32>
    %eq3A_419 = arith.cmpf oeq, %select_n3A_414, %eq3A_418 : vector<512x1024xf32>
    %jit3A_420 = arith.constant 1073741824 : i32
    %broadcast_in_dim3A_421 = vector.broadcast %jit3A_420 : i32 to vector<512x1024xi32>
    %select_n3A_422 = arith.select %eq3A_419, %iota3A, %broadcast_in_dim3A_421 : vector<512x1024xi1>, vector<512x1024xi32>
    %reduce_min3A_423 = arith.constant dense<2147483647> : vector<512xi32>
    %reduce_min3A_424 = vector.multi_reduction <minsi>, %select_n3A_422, %reduce_min3A_423 [1] : vector<512x1024xi32> to vector<512xi32>
    %broadcast_in_dim3A_425 = vector.shape_cast %reduce_min3A_424 : vector<512xi32> to vector<512x1xi32>
    %swap3A_426 = arith.constant 0 : index
    %swap3A_427 = arith.constant 0 : index
    %swap3A_428 = arith.constant 19 : index
    %swap3A_429 = vector.load %arg3[%swap3A_426, %swap3A_427, %swap3A_428] : memref<1x512x20xi32, #tpu.memory_space<vmem>>, vector<1x512x1xi32>
    %swap3A_430 = vector.shape_cast %swap3A_429 : vector<1x512x1xi32> to vector<512x1xi32>
    %swap3A_431 = vector.shape_cast %broadcast_in_dim3A_425 : vector<512x1xi32> to vector<1x512x1xi32>
    tpu.vector_store %arg3[%swap3A_426, %swap3A_427, %swap3A_428], %swap3A_431 {strides = array<i32>} : memref<1x512x20xi32, #tpu.memory_space<vmem>>, vector<1x512x1xi32>,
    return
  }
  func.func @transform_0(%arg0: i32, %arg1: i32) -> (i32, i32, i32) {
    %c0_i32 = arith.constant 0 : i32
    %c0_i32_0 = arith.constant 0 : i32
    return %arg0, %arg1, %c0_i32 : i32, i32, i32
  }
  func.func @transform_1(%arg0: i32, %arg1: i32) -> (i32, i32, i32) {
    %c0_i32 = arith.constant 0 : i32
    %c0_i32_0 = arith.constant 0 : i32
    return %arg0, %arg1, %c0_i32 : i32, i32, i32
  }
}

module attributes {stable_mosaic.version = 14 : i64} {
  func.func @_conv_body(%arg0: i32, %arg1: memref<1x64x1024xf32, #tpu.memory_space<vmem>>, %arg2: memref<64x64xf32, #tpu.memory_space<vmem>>, %arg3: memref<1x64x1024xf32, #tpu.memory_space<vmem>>) attributes {dimension_semantics = [#tpu.dimension_semantics<arbitrary>], iteration_bounds = array<i64: 16>, scalar_prefetch = 0 : i64, scratch_operands = 0 : i64, tpu.core_type = #tpu.core_type<tc>, window_params = [{transform_indices = @transform_0, window_bounds = array<i64: 1, 64, 1024>}, {pipeline_mode = #tpu.pipeline_mode<synchronous>, transform_indices = @transform_1, window_bounds = array<i64: 64, 64>}, {transform_indices = @transform_2, window_bounds = array<i64: 1, 64, 1024>}]} {
    %get3A = arith.constant 0 : index
    %get3A_0 = arith.constant 0 : index
    %get3A_1 = vector.load %arg2[%get3A, %get3A_0] : memref<64x64xf32, #tpu.memory_space<vmem>>, vector<64x64xf32>
    %get3A_2 = arith.constant 0 : index
    %get3A_3 = arith.constant 0 : index
    %get3A_4 = arith.constant 0 : index
    %get3A_5 = vector.load %arg1[%get3A_2, %get3A_3, %get3A_4] : memref<1x64x1024xf32, #tpu.memory_space<vmem>>, vector<1x64x1024xf32>
    %get3A_6 = vector.shape_cast %get3A_5 : vector<1x64x1024xf32> to vector<64x1024xf32>
    %dot_general3A = arith.constant dense<0.000000e+00> : vector<64x1024xf32>
    %dot_general3A_7 = tpu.matmul %get3A_1, %get3A_6, %dot_general3A {dimension_numbers = #tpu.dot_dimension_numbers<[1], [0], [0], [1], [0, 0, 1, 1], [], []>, transpose_lhs_hint = false} : vector<64x64xf32>, vector<64x1024xf32>, vector<64x1024xf32> -> vector<64x1024xf32>
    %swap3A = arith.constant 0 : index
    %swap3A_8 = arith.constant 0 : index
    %swap3A_9 = arith.constant 0 : index
    %swap3A_10 = vector.load %arg3[%swap3A, %swap3A_8, %swap3A_9] : memref<1x64x1024xf32, #tpu.memory_space<vmem>>, vector<1x64x1024xf32>
    %swap3A_11 = vector.shape_cast %swap3A_10 : vector<1x64x1024xf32> to vector<64x1024xf32>
    %swap3A_12 = vector.shape_cast %dot_general3A_7 : vector<64x1024xf32> to vector<1x64x1024xf32>
    tpu.vector_store %arg3[%swap3A, %swap3A_8, %swap3A_9], %swap3A_12 {strides = array<i32>} : memref<1x64x1024xf32, #tpu.memory_space<vmem>>, vector<1x64x1024xf32>,
    return
  }
  func.func @transform_0(%arg0: i32) -> (i32, i32, i32) {
    %c0_i32 = arith.constant 0 : i32
    %c0_i32_0 = arith.constant 0 : i32
    %c0_i32_1 = arith.constant 0 : i32
    return %arg0, %c0_i32, %c0_i32_0 : i32, i32, i32
  }
  func.func @transform_1(%arg0: i32) -> (i32, i32) {
    %c0_i32 = arith.constant 0 : i32
    %c0_i32_0 = arith.constant 0 : i32
    %c0_i32_1 = arith.constant 0 : i32
    return %c0_i32, %c0_i32_0 : i32, i32
  }
  func.func @transform_2(%arg0: i32) -> (i32, i32, i32) {
    %c0_i32 = arith.constant 0 : i32
    %c0_i32_0 = arith.constant 0 : i32
    %c0_i32_1 = arith.constant 0 : i32
    return %arg0, %c0_i32, %c0_i32_0 : i32, i32, i32
  }
}

module attributes {stable_mosaic.version = 14 : i64} {
  func.func @_norm_body(%arg0: i32, %arg1: memref<1x64x1024xf32, #tpu.memory_space<vmem>>, %arg2: memref<64x512xf32, #tpu.memory_space<vmem>>, %arg3: memref<64x512xf32, #tpu.memory_space<vmem>>, %arg4: memref<64x1xf32, #tpu.memory_space<vmem>>, %arg5: memref<64x1xf32, #tpu.memory_space<vmem>>, %arg6: memref<1x64x1024xf32, #tpu.memory_space<vmem>>) attributes {dimension_semantics = [#tpu.dimension_semantics<arbitrary>], iteration_bounds = array<i64: 16>, scalar_prefetch = 0 : i64, scratch_operands = 0 : i64, tpu.core_type = #tpu.core_type<tc>, window_params = [{transform_indices = @transform_0, window_bounds = array<i64: 1, 64, 1024>}, {pipeline_mode = #tpu.pipeline_mode<synchronous>, transform_indices = @transform_1, window_bounds = array<i64: 64, 512>}, {pipeline_mode = #tpu.pipeline_mode<synchronous>, transform_indices = @transform_2, window_bounds = array<i64: 64, 512>}, {pipeline_mode = #tpu.pipeline_mode<synchronous>, transform_indices = @transform_3, window_bounds = array<i64: 64, 1>}, {pipeline_mode = #tpu.pipeline_mode<synchronous>, transform_indices = @transform_4, window_bounds = array<i64: 64, 1>}, {transform_indices = @transform_5, window_bounds = array<i64: 1, 64, 1024>}]} {
    %get3A = arith.constant 0 : index
    %get3A_0 = arith.constant 0 : index
    %get3A_1 = vector.load %arg2[%get3A, %get3A_0] : memref<64x512xf32, #tpu.memory_space<vmem>>, vector<64x512xf32>
    %reduce_sum3A = arith.constant dense<0.000000e+00> : vector<64xf32>
    %reduce_sum3A_2 = vector.multi_reduction <add>, %get3A_1, %reduce_sum3A [1] : vector<64x512xf32> to vector<64xf32>
    %broadcast_in_dim3A = vector.shape_cast %reduce_sum3A_2 : vector<64xf32> to vector<64x1xf32>
    %get3A_3 = arith.constant 0 : index
    %get3A_4 = arith.constant 0 : index
    %get3A_5 = vector.load %arg3[%get3A_3, %get3A_4] : memref<64x512xf32, #tpu.memory_space<vmem>>, vector<64x512xf32>
    %reduce_sum3A_6 = arith.constant dense<0.000000e+00> : vector<64xf32>
    %reduce_sum3A_7 = vector.multi_reduction <add>, %get3A_5, %reduce_sum3A_6 [1] : vector<64x512xf32> to vector<64xf32>
    %broadcast_in_dim3A_8 = vector.shape_cast %reduce_sum3A_7 : vector<64xf32> to vector<64x1xf32>
    %div3A = arith.constant 3.276800e+05 : f32
    %div3A_9 = vector.broadcast %div3A : f32 to vector<64x1xf32>
    %div3A_10 = arith.divf %broadcast_in_dim3A, %div3A_9 : vector<64x1xf32>
    %div3A_11 = arith.constant 3.276800e+05 : f32
    %div3A_12 = vector.broadcast %div3A_11 : f32 to vector<64x1xf32>
    %div3A_13 = arith.divf %broadcast_in_dim3A_8, %div3A_12 : vector<64x1xf32>
    %mul3A = arith.mulf %div3A_10, %div3A_10 : vector<64x1xf32>
    %sub3A = arith.subf %div3A_13, %mul3A : vector<64x1xf32>
    %get3A_14 = arith.constant 0 : index
    %get3A_15 = arith.constant 0 : index
    %get3A_16 = vector.load %arg4[%get3A_14, %get3A_15] : memref<64x1xf32, #tpu.memory_space<vmem>>, vector<64x1xf32>
    %add3A = arith.constant 9.99999974E-6 : f32
    %add3A_17 = vector.broadcast %add3A : f32 to vector<64x1xf32>
    %add3A_18 = arith.addf %sub3A, %add3A_17 : vector<64x1xf32>
    %sqrt3A = math.sqrt %add3A_18 : vector<64x1xf32>
    %div3A_19 = arith.divf %get3A_16, %sqrt3A : vector<64x1xf32>
    %get3A_20 = arith.constant 0 : index
    %get3A_21 = arith.constant 0 : index
    %get3A_22 = vector.load %arg5[%get3A_20, %get3A_21] : memref<64x1xf32, #tpu.memory_space<vmem>>, vector<64x1xf32>
    %mul3A_23 = arith.mulf %div3A_10, %div3A_19 : vector<64x1xf32>
    %sub3A_24 = arith.subf %get3A_22, %mul3A_23 : vector<64x1xf32>
    %get3A_25 = arith.constant 0 : index
    %get3A_26 = arith.constant 0 : index
    %get3A_27 = arith.constant 0 : index
    %get3A_28 = vector.load %arg1[%get3A_25, %get3A_26, %get3A_27] : memref<1x64x1024xf32, #tpu.memory_space<vmem>>, vector<1x64x1024xf32>
    %get3A_29 = vector.shape_cast %get3A_28 : vector<1x64x1024xf32> to vector<64x1024xf32>
    %mul3A_30 = vector.broadcast %div3A_19 : vector<64x1xf32> to vector<64x1024xf32>
    %mul3A_31 = arith.mulf %get3A_29, %mul3A_30 : vector<64x1024xf32>
    %add3A_32 = vector.broadcast %sub3A_24 : vector<64x1xf32> to vector<64x1024xf32>
    %add3A_33 = arith.addf %mul3A_31, %add3A_32 : vector<64x1024xf32>
    %max3A = arith.constant 0.000000e+00 : f32
    %max3A_34 = vector.broadcast %max3A : f32 to vector<64x1024xf32>
    %max3A_35 = arith.maximumf %add3A_33, %max3A_34 : vector<64x1024xf32>
    %swap3A = arith.constant 0 : index
    %swap3A_36 = arith.constant 0 : index
    %swap3A_37 = arith.constant 0 : index
    %swap3A_38 = vector.load %arg6[%swap3A, %swap3A_36, %swap3A_37] : memref<1x64x1024xf32, #tpu.memory_space<vmem>>, vector<1x64x1024xf32>
    %swap3A_39 = vector.shape_cast %swap3A_38 : vector<1x64x1024xf32> to vector<64x1024xf32>
    %swap3A_40 = vector.shape_cast %max3A_35 : vector<64x1024xf32> to vector<1x64x1024xf32>
    tpu.vector_store %arg6[%swap3A, %swap3A_36, %swap3A_37], %swap3A_40 {strides = array<i32>} : memref<1x64x1024xf32, #tpu.memory_space<vmem>>, vector<1x64x1024xf32>,
    return
  }
  func.func @transform_0(%arg0: i32) -> (i32, i32, i32) {
    %c0_i32 = arith.constant 0 : i32
    %c0_i32_0 = arith.constant 0 : i32
    %c0_i32_1 = arith.constant 0 : i32
    return %arg0, %c0_i32, %c0_i32_0 : i32, i32, i32
  }
  func.func @transform_1(%arg0: i32) -> (i32, i32) {
    %c0_i32 = arith.constant 0 : i32
    %c0_i32_0 = arith.constant 0 : i32
    %c0_i32_1 = arith.constant 0 : i32
    return %c0_i32, %c0_i32_0 : i32, i32
  }
  func.func @transform_2(%arg0: i32) -> (i32, i32) {
    %c0_i32 = arith.constant 0 : i32
    %c0_i32_0 = arith.constant 0 : i32
    %c0_i32_1 = arith.constant 0 : i32
    return %c0_i32, %c0_i32_0 : i32, i32
  }
  func.func @transform_3(%arg0: i32) -> (i32, i32) {
    %c0_i32 = arith.constant 0 : i32
    %c0_i32_0 = arith.constant 0 : i32
    %c0_i32_1 = arith.constant 0 : i32
    return %c0_i32, %c0_i32_0 : i32, i32
  }
  func.func @transform_4(%arg0: i32) -> (i32, i32) {
    %c0_i32 = arith.constant 0 : i32
    %c0_i32_0 = arith.constant 0 : i32
    %c0_i32_1 = arith.constant 0 : i32
    return %c0_i32, %c0_i32_0 : i32, i32
  }
  func.func @transform_5(%arg0: i32) -> (i32, i32, i32) {
    %c0_i32 = arith.constant 0 : i32
    %c0_i32_0 = arith.constant 0 : i32
    %c0_i32_1 = arith.constant 0 : i32
    return %arg0, %c0_i32, %c0_i32_0 : i32, i32, i32
  }
}

module attributes {stable_mosaic.version = 14 : i64} {
  func.func @_layer5_body(%arg0: i32, %arg1: memref<1x64x1024xf32, #tpu.memory_space<vmem>>, %arg2: memref<1024x64xf32, #tpu.memory_space<vmem>>, %arg3: memref<1x1024x1xf32, #tpu.memory_space<vmem>>, %arg4: memref<1x1024x1xf32, #tpu.memory_space<vmem>>, %arg5: memref<1x1024x1xf32, #tpu.memory_space<vmem>>) attributes {dimension_semantics = [#tpu.dimension_semantics<arbitrary>], iteration_bounds = array<i64: 16>, scalar_prefetch = 0 : i64, scratch_operands = 0 : i64, tpu.core_type = #tpu.core_type<tc>, window_params = [{transform_indices = @transform_0, window_bounds = array<i64: 1, 64, 1024>}, {pipeline_mode = #tpu.pipeline_mode<synchronous>, transform_indices = @transform_1, window_bounds = array<i64: 1024, 64>}, {transform_indices = @transform_2, window_bounds = array<i64: 1, 1024, 1>}, {transform_indices = @transform_3, window_bounds = array<i64: 1, 1024, 1>}, {transform_indices = @transform_4, window_bounds = array<i64: 1, 1024, 1>}]} {
    %get3A = arith.constant 0 : index
    %get3A_0 = arith.constant 0 : index
    %get3A_1 = vector.load %arg2[%get3A, %get3A_0] : memref<1024x64xf32, #tpu.memory_space<vmem>>, vector<1024x64xf32>
    %get3A_2 = arith.constant 0 : index
    %get3A_3 = arith.constant 0 : index
    %get3A_4 = arith.constant 0 : index
    %get3A_5 = vector.load %arg1[%get3A_2, %get3A_3, %get3A_4] : memref<1x64x1024xf32, #tpu.memory_space<vmem>>, vector<1x64x1024xf32>
    %get3A_6 = vector.shape_cast %get3A_5 : vector<1x64x1024xf32> to vector<64x1024xf32>
    %dot_general3A = arith.constant dense<0.000000e+00> : vector<1024x1024xf32>
    %dot_general3A_7 = tpu.matmul %get3A_1, %get3A_6, %dot_general3A {dimension_numbers = #tpu.dot_dimension_numbers<[1], [0], [0], [1], [0, 0, 1, 1], [], []>, transpose_lhs_hint = false} : vector<1024x64xf32>, vector<64x1024xf32>, vector<1024x1024xf32> -> vector<1024x1024xf32>
    %reduce_max3A = arith.constant dense<0xFF800000> : vector<1024xf32>
    %reduce_max3A_8 = vector.multi_reduction <maximumf>, %dot_general3A_7, %reduce_max3A [1] : vector<1024x1024xf32> to vector<1024xf32>
    %broadcast_in_dim3A = vector.shape_cast %reduce_max3A_8 : vector<1024xf32> to vector<1024x1xf32>
    %swap3A = arith.constant 0 : index
    %swap3A_9 = arith.constant 0 : index
    %swap3A_10 = arith.constant 0 : index
    %swap3A_11 = vector.load %arg3[%swap3A, %swap3A_9, %swap3A_10] : memref<1x1024x1xf32, #tpu.memory_space<vmem>>, vector<1x1024x1xf32>
    %swap3A_12 = vector.shape_cast %swap3A_11 : vector<1x1024x1xf32> to vector<1024x1xf32>
    %swap3A_13 = vector.shape_cast %broadcast_in_dim3A : vector<1024x1xf32> to vector<1x1024x1xf32>
    tpu.vector_store %arg3[%swap3A, %swap3A_9, %swap3A_10], %swap3A_13 {strides = array<i32>} : memref<1x1024x1xf32, #tpu.memory_space<vmem>>, vector<1x1024x1xf32>,
    %reduce_sum3A = arith.constant dense<0.000000e+00> : vector<1024xf32>
    %reduce_sum3A_14 = vector.multi_reduction <add>, %dot_general3A_7, %reduce_sum3A [1] : vector<1024x1024xf32> to vector<1024xf32>
    %broadcast_in_dim3A_15 = vector.shape_cast %reduce_sum3A_14 : vector<1024xf32> to vector<1024x1xf32>
    %swap3A_16 = arith.constant 0 : index
    %swap3A_17 = arith.constant 0 : index
    %swap3A_18 = arith.constant 0 : index
    %swap3A_19 = vector.load %arg4[%swap3A_16, %swap3A_17, %swap3A_18] : memref<1x1024x1xf32, #tpu.memory_space<vmem>>, vector<1x1024x1xf32>
    %swap3A_20 = vector.shape_cast %swap3A_19 : vector<1x1024x1xf32> to vector<1024x1xf32>
    %swap3A_21 = vector.shape_cast %broadcast_in_dim3A_15 : vector<1024x1xf32> to vector<1x1024x1xf32>
    tpu.vector_store %arg4[%swap3A_16, %swap3A_17, %swap3A_18], %swap3A_21 {strides = array<i32>} : memref<1x1024x1xf32, #tpu.memory_space<vmem>>, vector<1x1024x1xf32>,
    %mul3A = arith.mulf %dot_general3A_7, %dot_general3A_7 : vector<1024x1024xf32>
    %reduce_sum3A_22 = arith.constant dense<0.000000e+00> : vector<1024xf32>
    %reduce_sum3A_23 = vector.multi_reduction <add>, %mul3A, %reduce_sum3A_22 [1] : vector<1024x1024xf32> to vector<1024xf32>
    %broadcast_in_dim3A_24 = vector.shape_cast %reduce_sum3A_23 : vector<1024xf32> to vector<1024x1xf32>
    %swap3A_25 = arith.constant 0 : index
    %swap3A_26 = arith.constant 0 : index
    %swap3A_27 = arith.constant 0 : index
    %swap3A_28 = vector.load %arg5[%swap3A_25, %swap3A_26, %swap3A_27] : memref<1x1024x1xf32, #tpu.memory_space<vmem>>, vector<1x1024x1xf32>
    %swap3A_29 = vector.shape_cast %swap3A_28 : vector<1x1024x1xf32> to vector<1024x1xf32>
    %swap3A_30 = vector.shape_cast %broadcast_in_dim3A_24 : vector<1024x1xf32> to vector<1x1024x1xf32>
    tpu.vector_store %arg5[%swap3A_25, %swap3A_26, %swap3A_27], %swap3A_30 {strides = array<i32>} : memref<1x1024x1xf32, #tpu.memory_space<vmem>>, vector<1x1024x1xf32>,
    return
  }
  func.func @transform_0(%arg0: i32) -> (i32, i32, i32) {
    %c0_i32 = arith.constant 0 : i32
    %c0_i32_0 = arith.constant 0 : i32
    %c0_i32_1 = arith.constant 0 : i32
    return %arg0, %c0_i32, %c0_i32_0 : i32, i32, i32
  }
  func.func @transform_1(%arg0: i32) -> (i32, i32) {
    %c0_i32 = arith.constant 0 : i32
    %c0_i32_0 = arith.constant 0 : i32
    %c0_i32_1 = arith.constant 0 : i32
    return %c0_i32, %c0_i32_0 : i32, i32
  }
  func.func @transform_2(%arg0: i32) -> (i32, i32, i32) {
    %c0_i32 = arith.constant 0 : i32
    %c0_i32_0 = arith.constant 0 : i32
    %c0_i32_1 = arith.constant 0 : i32
    return %arg0, %c0_i32, %c0_i32_0 : i32, i32, i32
  }
  func.func @transform_3(%arg0: i32) -> (i32, i32, i32) {
    %c0_i32 = arith.constant 0 : i32
    %c0_i32_0 = arith.constant 0 : i32
    %c0_i32_1 = arith.constant 0 : i32
    return %arg0, %c0_i32, %c0_i32_0 : i32, i32, i32
  }
  func.func @transform_4(%arg0: i32) -> (i32, i32, i32) {
    %c0_i32 = arith.constant 0 : i32
    %c0_i32_0 = arith.constant 0 : i32
    %c0_i32_1 = arith.constant 0 : i32
    return %arg0, %c0_i32, %c0_i32_0 : i32, i32, i32
  }
}

module attributes {stable_mosaic.version = 14 : i64} {
  func.func @_head_body(%arg0: memref<16x1024xf32, #tpu.memory_space<vmem>>, %arg1: memref<16x1024xf32, #tpu.memory_space<vmem>>, %arg2: memref<16x1024xf32, #tpu.memory_space<vmem>>, %arg3: memref<1x1024xf32, #tpu.memory_space<vmem>>, %arg4: memref<1x1024xf32, #tpu.memory_space<vmem>>, %arg5: memref<1024x512xf32, #tpu.memory_space<vmem>>, %arg6: memref<1x512xf32, #tpu.memory_space<vmem>>, %arg7: memref<1x512xf32, #tpu.memory_space<vmem>>, %arg8: memref<512x128xf32, #tpu.memory_space<vmem>>, %arg9: memref<1x128xf32, #tpu.memory_space<vmem>>, %arg10: memref<1x128xf32, #tpu.memory_space<vmem>>, %arg11: memref<128x40xf32, #tpu.memory_space<vmem>>, %arg12: memref<1x40xf32, #tpu.memory_space<vmem>>, %arg13: memref<16x40xf32, #tpu.memory_space<vmem>>) attributes {dimension_semantics = [], scalar_prefetch = 0 : i64, scratch_operands = 0 : i64, tpu.core_type = #tpu.core_type<tc>} {
    %get3A = arith.constant 0 : index
    %get3A_0 = arith.constant 0 : index
    %get3A_1 = vector.load %arg1[%get3A, %get3A_0] : memref<16x1024xf32, #tpu.memory_space<vmem>>, vector<16x1024xf32>
    %reduce_sum3A = arith.constant dense<0.000000e+00> : vector<1024xf32>
    %reduce_sum3A_2 = vector.multi_reduction <add>, %get3A_1, %reduce_sum3A [0] : vector<16x1024xf32> to vector<1024xf32>
    %broadcast_in_dim3A = vector.shape_cast %reduce_sum3A_2 : vector<1024xf32> to vector<1x1024xf32>
    %get3A_3 = arith.constant 0 : index
    %get3A_4 = arith.constant 0 : index
    %get3A_5 = vector.load %arg2[%get3A_3, %get3A_4] : memref<16x1024xf32, #tpu.memory_space<vmem>>, vector<16x1024xf32>
    %reduce_sum3A_6 = arith.constant dense<0.000000e+00> : vector<1024xf32>
    %reduce_sum3A_7 = vector.multi_reduction <add>, %get3A_5, %reduce_sum3A_6 [0] : vector<16x1024xf32> to vector<1024xf32>
    %broadcast_in_dim3A_8 = vector.shape_cast %reduce_sum3A_7 : vector<1024xf32> to vector<1x1024xf32>
    %div3A = arith.constant 1.638400e+04 : f32
    %div3A_9 = vector.broadcast %div3A : f32 to vector<1x1024xf32>
    %div3A_10 = arith.divf %broadcast_in_dim3A, %div3A_9 : vector<1x1024xf32>
    %div3A_11 = arith.constant 1.638400e+04 : f32
    %div3A_12 = vector.broadcast %div3A_11 : f32 to vector<1x1024xf32>
    %div3A_13 = arith.divf %broadcast_in_dim3A_8, %div3A_12 : vector<1x1024xf32>
    %mul3A = arith.mulf %div3A_10, %div3A_10 : vector<1x1024xf32>
    %sub3A = arith.subf %div3A_13, %mul3A : vector<1x1024xf32>
    %get3A_14 = arith.constant 0 : index
    %get3A_15 = arith.constant 0 : index
    %get3A_16 = vector.load %arg3[%get3A_14, %get3A_15] : memref<1x1024xf32, #tpu.memory_space<vmem>>, vector<1x1024xf32>
    %add3A = arith.constant 9.99999974E-6 : f32
    %add3A_17 = vector.broadcast %add3A : f32 to vector<1x1024xf32>
    %add3A_18 = arith.addf %sub3A, %add3A_17 : vector<1x1024xf32>
    %sqrt3A = math.sqrt %add3A_18 : vector<1x1024xf32>
    %div3A_19 = arith.divf %get3A_16, %sqrt3A : vector<1x1024xf32>
    %get3A_20 = arith.constant 0 : index
    %get3A_21 = arith.constant 0 : index
    %get3A_22 = vector.load %arg4[%get3A_20, %get3A_21] : memref<1x1024xf32, #tpu.memory_space<vmem>>, vector<1x1024xf32>
    %mul3A_23 = arith.mulf %div3A_10, %div3A_19 : vector<1x1024xf32>
    %sub3A_24 = arith.subf %get3A_22, %mul3A_23 : vector<1x1024xf32>
    %get3A_25 = arith.constant 0 : index
    %get3A_26 = arith.constant 0 : index
    %get3A_27 = vector.load %arg0[%get3A_25, %get3A_26] : memref<16x1024xf32, #tpu.memory_space<vmem>>, vector<16x1024xf32>
    %mul3A_28 = vector.broadcast %div3A_19 : vector<1x1024xf32> to vector<16x1024xf32>
    %mul3A_29 = arith.mulf %get3A_27, %mul3A_28 : vector<16x1024xf32>
    %add3A_30 = vector.broadcast %sub3A_24 : vector<1x1024xf32> to vector<16x1024xf32>
    %add3A_31 = arith.addf %mul3A_29, %add3A_30 : vector<16x1024xf32>
    %max3A = arith.constant 0.000000e+00 : f32
    %max3A_32 = vector.broadcast %max3A : f32 to vector<16x1024xf32>
    %max3A_33 = arith.maximumf %add3A_31, %max3A_32 : vector<16x1024xf32>
    %get3A_34 = arith.constant 0 : index
    %get3A_35 = arith.constant 0 : index
    %get3A_36 = vector.load %arg5[%get3A_34, %get3A_35] : memref<1024x512xf32, #tpu.memory_space<vmem>>, vector<1024x512xf32>
    %dot_general3A = arith.constant dense<0.000000e+00> : vector<16x512xf32>
    %dot_general3A_37 = tpu.matmul %max3A_33, %get3A_36, %dot_general3A {dimension_numbers = #tpu.dot_dimension_numbers<[1], [0], [0], [1], [0, 0, 1, 1], [], []>, transpose_lhs_hint = false} : vector<16x1024xf32>, vector<1024x512xf32>, vector<16x512xf32> -> vector<16x512xf32>
    %reduce_sum3A_38 = arith.constant dense<0.000000e+00> : vector<512xf32>
    %reduce_sum3A_39 = vector.multi_reduction <add>, %dot_general3A_37, %reduce_sum3A_38 [0] : vector<16x512xf32> to vector<512xf32>
    %broadcast_in_dim3A_40 = vector.shape_cast %reduce_sum3A_39 : vector<512xf32> to vector<1x512xf32>
    %div3A_41 = arith.constant 1.600000e+01 : f32
    %div3A_42 = vector.broadcast %div3A_41 : f32 to vector<1x512xf32>
    %div3A_43 = arith.divf %broadcast_in_dim3A_40, %div3A_42 : vector<1x512xf32>
    %sub3A_44 = vector.broadcast %div3A_43 : vector<1x512xf32> to vector<16x512xf32>
    %sub3A_45 = arith.subf %dot_general3A_37, %sub3A_44 : vector<16x512xf32>
    %sub3A_46 = vector.broadcast %div3A_43 : vector<1x512xf32> to vector<16x512xf32>
    %sub3A_47 = arith.subf %dot_general3A_37, %sub3A_46 : vector<16x512xf32>
    %mul3A_48 = arith.mulf %sub3A_45, %sub3A_47 : vector<16x512xf32>
    %reduce_sum3A_49 = arith.constant dense<0.000000e+00> : vector<512xf32>
    %reduce_sum3A_50 = vector.multi_reduction <add>, %mul3A_48, %reduce_sum3A_49 [0] : vector<16x512xf32> to vector<512xf32>
    %broadcast_in_dim3A_51 = vector.shape_cast %reduce_sum3A_50 : vector<512xf32> to vector<1x512xf32>
    %div3A_52 = arith.constant 1.600000e+01 : f32
    %div3A_53 = vector.broadcast %div3A_52 : f32 to vector<1x512xf32>
    %div3A_54 = arith.divf %broadcast_in_dim3A_51, %div3A_53 : vector<1x512xf32>
    %sub3A_55 = vector.broadcast %div3A_43 : vector<1x512xf32> to vector<16x512xf32>
    %sub3A_56 = arith.subf %dot_general3A_37, %sub3A_55 : vector<16x512xf32>
    %add3A_57 = arith.constant 9.99999974E-6 : f32
    %add3A_58 = vector.broadcast %add3A_57 : f32 to vector<1x512xf32>
    %add3A_59 = arith.addf %div3A_54, %add3A_58 : vector<1x512xf32>
    %sqrt3A_60 = math.sqrt %add3A_59 : vector<1x512xf32>
    %div3A_61 = vector.broadcast %sqrt3A_60 : vector<1x512xf32> to vector<16x512xf32>
    %div3A_62 = arith.divf %sub3A_56, %div3A_61 : vector<16x512xf32>
    %get3A_63 = arith.constant 0 : index
    %get3A_64 = arith.constant 0 : index
    %get3A_65 = vector.load %arg6[%get3A_63, %get3A_64] : memref<1x512xf32, #tpu.memory_space<vmem>>, vector<1x512xf32>
    %mul3A_66 = vector.broadcast %get3A_65 : vector<1x512xf32> to vector<16x512xf32>
    %mul3A_67 = arith.mulf %div3A_62, %mul3A_66 : vector<16x512xf32>
    %get3A_68 = arith.constant 0 : index
    %get3A_69 = arith.constant 0 : index
    %get3A_70 = vector.load %arg7[%get3A_68, %get3A_69] : memref<1x512xf32, #tpu.memory_space<vmem>>, vector<1x512xf32>
    %add3A_71 = vector.broadcast %get3A_70 : vector<1x512xf32> to vector<16x512xf32>
    %add3A_72 = arith.addf %mul3A_67, %add3A_71 : vector<16x512xf32>
    %max3A_73 = arith.constant 0.000000e+00 : f32
    %max3A_74 = vector.broadcast %max3A_73 : f32 to vector<16x512xf32>
    %max3A_75 = arith.maximumf %add3A_72, %max3A_74 : vector<16x512xf32>
    %get3A_76 = arith.constant 0 : index
    %get3A_77 = arith.constant 0 : index
    %get3A_78 = vector.load %arg8[%get3A_76, %get3A_77] : memref<512x128xf32, #tpu.memory_space<vmem>>, vector<512x128xf32>
    %dot_general3A_79 = arith.constant dense<0.000000e+00> : vector<16x128xf32>
    %dot_general3A_80 = tpu.matmul %max3A_75, %get3A_78, %dot_general3A_79 {dimension_numbers = #tpu.dot_dimension_numbers<[1], [0], [0], [1], [0, 0, 1, 1], [], []>, transpose_lhs_hint = false} : vector<16x512xf32>, vector<512x128xf32>, vector<16x128xf32> -> vector<16x128xf32>
    %reduce_sum3A_81 = arith.constant dense<0.000000e+00> : vector<128xf32>
    %reduce_sum3A_82 = vector.multi_reduction <add>, %dot_general3A_80, %reduce_sum3A_81 [0] : vector<16x128xf32> to vector<128xf32>
    %broadcast_in_dim3A_83 = vector.shape_cast %reduce_sum3A_82 : vector<128xf32> to vector<1x128xf32>
    %div3A_84 = arith.constant 1.600000e+01 : f32
    %div3A_85 = vector.broadcast %div3A_84 : f32 to vector<1x128xf32>
    %div3A_86 = arith.divf %broadcast_in_dim3A_83, %div3A_85 : vector<1x128xf32>
    %sub3A_87 = vector.broadcast %div3A_86 : vector<1x128xf32> to vector<16x128xf32>
    %sub3A_88 = arith.subf %dot_general3A_80, %sub3A_87 : vector<16x128xf32>
    %sub3A_89 = vector.broadcast %div3A_86 : vector<1x128xf32> to vector<16x128xf32>
    %sub3A_90 = arith.subf %dot_general3A_80, %sub3A_89 : vector<16x128xf32>
    %mul3A_91 = arith.mulf %sub3A_88, %sub3A_90 : vector<16x128xf32>
    %reduce_sum3A_92 = arith.constant dense<0.000000e+00> : vector<128xf32>
    %reduce_sum3A_93 = vector.multi_reduction <add>, %mul3A_91, %reduce_sum3A_92 [0] : vector<16x128xf32> to vector<128xf32>
    %broadcast_in_dim3A_94 = vector.shape_cast %reduce_sum3A_93 : vector<128xf32> to vector<1x128xf32>
    %div3A_95 = arith.constant 1.600000e+01 : f32
    %div3A_96 = vector.broadcast %div3A_95 : f32 to vector<1x128xf32>
    %div3A_97 = arith.divf %broadcast_in_dim3A_94, %div3A_96 : vector<1x128xf32>
    %sub3A_98 = vector.broadcast %div3A_86 : vector<1x128xf32> to vector<16x128xf32>
    %sub3A_99 = arith.subf %dot_general3A_80, %sub3A_98 : vector<16x128xf32>
    %add3A_100 = arith.constant 9.99999974E-6 : f32
    %add3A_101 = vector.broadcast %add3A_100 : f32 to vector<1x128xf32>
    %add3A_102 = arith.addf %div3A_97, %add3A_101 : vector<1x128xf32>
    %sqrt3A_103 = math.sqrt %add3A_102 : vector<1x128xf32>
    %div3A_104 = vector.broadcast %sqrt3A_103 : vector<1x128xf32> to vector<16x128xf32>
    %div3A_105 = arith.divf %sub3A_99, %div3A_104 : vector<16x128xf32>
    %get3A_106 = arith.constant 0 : index
    %get3A_107 = arith.constant 0 : index
    %get3A_108 = vector.load %arg9[%get3A_106, %get3A_107] : memref<1x128xf32, #tpu.memory_space<vmem>>, vector<1x128xf32>
    %mul3A_109 = vector.broadcast %get3A_108 : vector<1x128xf32> to vector<16x128xf32>
    %mul3A_110 = arith.mulf %div3A_105, %mul3A_109 : vector<16x128xf32>
    %get3A_111 = arith.constant 0 : index
    %get3A_112 = arith.constant 0 : index
    %get3A_113 = vector.load %arg10[%get3A_111, %get3A_112] : memref<1x128xf32, #tpu.memory_space<vmem>>, vector<1x128xf32>
    %add3A_114 = vector.broadcast %get3A_113 : vector<1x128xf32> to vector<16x128xf32>
    %add3A_115 = arith.addf %mul3A_110, %add3A_114 : vector<16x128xf32>
    %max3A_116 = arith.constant 0.000000e+00 : f32
    %max3A_117 = vector.broadcast %max3A_116 : f32 to vector<16x128xf32>
    %max3A_118 = arith.maximumf %add3A_115, %max3A_117 : vector<16x128xf32>
    %get3A_119 = arith.constant 0 : index
    %get3A_120 = arith.constant 0 : index
    %get3A_121 = vector.load %arg11[%get3A_119, %get3A_120] : memref<128x40xf32, #tpu.memory_space<vmem>>, vector<128x40xf32>
    %dot_general3A_122 = arith.constant dense<0.000000e+00> : vector<16x40xf32>
    %dot_general3A_123 = tpu.matmul %max3A_118, %get3A_121, %dot_general3A_122 {dimension_numbers = #tpu.dot_dimension_numbers<[1], [0], [0], [1], [0, 0, 1, 1], [], []>, transpose_lhs_hint = false} : vector<16x128xf32>, vector<128x40xf32>, vector<16x40xf32> -> vector<16x40xf32>
    %get3A_124 = arith.constant 0 : index
    %get3A_125 = arith.constant 0 : index
    %get3A_126 = vector.load %arg12[%get3A_124, %get3A_125] : memref<1x40xf32, #tpu.memory_space<vmem>>, vector<1x40xf32>
    %add3A_127 = vector.broadcast %get3A_126 : vector<1x40xf32> to vector<16x40xf32>
    %add3A_128 = arith.addf %dot_general3A_123, %add3A_127 : vector<16x40xf32>
    %max3A_129 = arith.constant 0.000000e+00 : f32
    %max3A_130 = vector.broadcast %max3A_129 : f32 to vector<16x40xf32>
    %max3A_131 = arith.maximumf %add3A_128, %max3A_130 : vector<16x40xf32>
    %swap3A = arith.constant 0 : index
    %swap3A_132 = arith.constant 0 : index
    %swap3A_133 = vector.load %arg13[%swap3A, %swap3A_132] : memref<16x40xf32, #tpu.memory_space<vmem>>, vector<16x40xf32>
    tpu.vector_store %arg13[%swap3A, %swap3A_132], %max3A_131 {strides = array<i32>} : memref<16x40xf32, #tpu.memory_space<vmem>>, vector<16x40xf32>,
    return
  }
}

</mosaic_0001>

<sc_bundles>
// kernel: kernel.11.cloned.1.call-start
scs
__scs_entry_jumppad:
0x0: {  	(pc) =	sbr.rel $0x88, $3  }
0x1: {  	(tag) =	ssettag $0x0;
	lr =	simm.s32 $0x1  }
0x2: {  	[smem:$0x3F87] =	sst lr;
	_ =	strace $0xD0000000  }
0x3: {  	_ = 	snop  }
0x4: {  	_ = 	snop  }
0x5: {  	_ = 	snop  }
0x6: {  	_ = 	snop  }
0x7: {  	_ = 	snop  }
__scs_overlays_trampoline_lowered:
0x8: {  	[smem:$0x3F96] =	sst s0  }
0x9: {  	[smem:$0x3F97] =	sst s1  }
0xa: {  	[smem:$0x3F98] =	sst s2  }
0xb: {  	[smem:$0x3F99] =	sst s3  }
0xc: {  	[smem:$0x3F9A] =	sst s4  }
0xd: {  	[smem:$0x3F9B] =	sst s5  }
0xe: {  	[smem:$0x3F9C] =	sst s6  }
0xf: {  	[smem:$0x3F9D] =	sst s7  }
0x10: {  	[smem:$0x3F9E] =	sst s8  }
0x11: {  	[smem:$0x3F9F] =	sst s9;
	s0 =	simm.s32 @!p0 $0x0  }
0x12: {  	s1 =	sld [smem:$0x3F85];
	s0 =	simm.s32 @p0 $0x1  }
0x13: {  	[smem:$0x3FA0] =	sst s0;
	s0 =	simm.s32 @!p1 $0x0  }
0x14: {  	s2 =	sld [smem:$0x3F84];
	s0 =	simm.s32 @p1 $0x1  }
0x15: {  	[smem:$0x3FA1] =	sst s0;
	s0 =	simm.s32 @!p2 $0x0  }
0x16: {  	s3 =	sld [smem:$0x3FDB];
	s0 =	simm.s32 @p2 $0x1  }
0x17: {  	s4 =	simm.s32 $0x1BF5;
	[smem:$0x3FA3] =	sst s0  }
0x18: {  	s0 =	sld [smem:$0x3F86];
	_ =	swait.ge [sflag:s4], $0x0  }
0x19: {  	s7 =	sld [smem:$0x3F87]  }
0x1a: {  	s8 =	sadd.s32 $0xFFFFE003, lr  }
0x1b: {  	s9 =	sadd.s32 $0xFFFFFEF7, lr;
	s5 =	simm.s32 $0xFFFFFFFF;
	p2 =	slt.u32 s8, $0xFFFFF086  }
0x1c: {  	p1 =	slt.u32 s9, $0xF7A;
	s5 =	simm.s32 @!p2 $0x0  }
0x1d: {  	s5 =	simm.s32 @p1 $0x1;
	p0 =	seq.s32 s7, s2  }
0x1e: {  	s7 =	smul.u32 @!p0 $0xF7A, s2;
	p2 =	seq.s32 @!p0 s5, $0x0  }
0x1f: {  	s9 =	smul.u32 $0xF7A, s1;
	s8 =	simm.s32 @!p0 $0x1BF5;
	p2 =	por !p2, p0  }
0x20: {  	[sflag:s8] =	ssyncset.s32 @!p0 $0xFFFFF086;
	s6 =	sadd.s32 @!p0 s3, s7;
	s7 =	simm.s32 @!p0 $0x108  }
0x21: {  	s3 =	sadd.s32 s3, s9;
	s6 =	sadd.s32 @!p0 $0x88, s6;
	s7 =	simm.s32 @p2 $0x1082  }
0x22: {  	[simem:s7], [sflag:s8] =	dma.local @!p0 [hbm:s6], $0xF7A  }
0x23: {  	s9 =	sor.u32 $0xD0000000, s2;
	s6 =	simm.s32 $0x108;
	_ =	swait.ge @!p0 [sflag:s8], $0x0  }
0x24: {  	s3 =	sadd.s32 $0x88, s3;
	s6 =	simm.s32 @!p1 $0x1082;
	[sflag:s4] =	ssyncset.s32 $0xFFFFF086  }
0x25: {  	[simem:s6], [sflag:s4] =	dma.local [hbm:s3], $0xF7A  }
0x26: {  	[smem:$0x3F87] =	sst s1;
	(tag) =	ssettag s2;
	_ =	strace s9  }
0x27: {  	s1 =	sld [smem:$0x3F97]  }
0x28: {  	s2 =	sld [smem:$0x3F98]  }
0x29: {  	s4 =	sld [smem:$0x3F9A]  }
0x2a: {  	p0 =	seq.s32 s5, $0x0;
	s5 =	sld [smem:$0x3F9B]  }
0x2b: {  	s6 =	sld [smem:$0x3F9C]  }
0x2c: {  	s7 =	sld [smem:$0x3F9D]  }
0x2d: {  	s3 =	simm.s32 $0x108;
	s8 =	sld [smem:$0x3F9E]  }
0x2e: {  	s3 =	simm.s32 @!p0 $0x1082;
	s9 =	sld [smem:$0x3F9F]  }
0x2f: {  	lr =	sadd.s32 s0, s3;
	s0 =	sld [smem:$0x3F96]  }
0x30: {  	s3 =	sld [smem:$0x3F99]  }
0x31: {  	[smem:$0x3FA2] =	sst s10  }
0x32: {  	s10 =	sld [smem:$0x3FA0];
	_ =	sdelay $0x3  }
0x33: {  	p0 =	seq.s32 s10, $0x1;
	s10 =	sld [smem:$0x3FA2];
	_ =	sdelay $0x3  }
0x34: {  	[smem:$0x3FA2] =	sst s10  }
0x35: {  	s10 =	sld [smem:$0x3FA1];
	_ =	sdelay $0x3  }
0x36: {  	p1 =	seq.s32 s10, $0x1;
	s10 =	sld [smem:$0x3FA2];
	_ =	sdelay $0x3  }
0x37: {  	[smem:$0x3FA2] =	sst s10  }
0x38: {  	s10 =	sld [smem:$0x3FA3]  }
0x39: {  	_ = 	snop;
	(pc) =	sbr.ind lr, $3  }
0x3a: {  	_ = 	snop  }
0x3b: {  	_ = 	snop  }
0x3c: {  	p2 =	seq.s32 s10, $0x1;
	s10 =	sld [smem:$0x3FA2]  }
0x3d: {  	_ =	shalt  }
0x3e: {  	_ =	shalt  }
0x3f: {  	_ =	shalt  }
0x40: {  	_ =	shalt  }
0x41: {  	_ =	shalt  }
0x42: {  	_ =	shalt  }
0x43: {  	_ =	shalt  }
0x44: {  	_ =	shalt  }
0x45: {  	_ =	shalt  }
0x46: {  	_ =	shalt  }
0x47: {  	_ =	shalt  }
0x48: {  	_ =	shalt  }
0x49: {  	_ =	shalt  }
0x4a: {  	_ =	shalt  }
0x4b: {  	_ =	shalt  }
0x4c: {  	_ =	shalt  }
0x4d: {  	_ =	shalt  }
0x4e: {  	_ =	shalt  }
0x4f: {  	_ =	shalt  }
0x50: {  	_ =	shalt  }
0x51: {  	_ =	shalt  }
0x52: {  	_ =	shalt  }
0x53: {  	_ =	shalt  }
0x54: {  	_ =	shalt  }
0x55: {  	_ =	shalt  }
0x56: {  	_ =	shalt  }
0x57: {  	_ =	shalt  }
0x58: {  	_ =	shalt  }
0x59: {  	_ =	shalt  }
0x5a: {  	_ =	shalt  }
0x5b: {  	_ =	shalt  }
0x5c: {  	_ =	shalt  }
0x5d: {  	_ =	shalt  }
0x5e: {  	_ =	shalt  }
0x5f: {  	_ =	shalt  }
0x60: {  	_ =	shalt  }
0x61: {  	_ =	shalt  }
0x62: {  	_ =	shalt  }
0x63: {  	_ =	shalt  }
0x64: {  	_ =	shalt  }
0x65: {  	_ =	shalt  }
0x66: {  	_ =	shalt  }
0x67: {  	_ =	shalt  }
0x68: {  	_ =	shalt  }
0x69: {  	_ =	shalt  }
0x6a: {  	_ =	shalt  }
0x6b: {  	_ =	shalt  }
0x6c: {  	_ =	shalt  }
0x6d: {  	_ =	shalt  }
0x6e: {  	_ =	shalt  }
0x6f: {  	_ =	shalt  }
0x70: {  	_ =	shalt  }
0x71: {  	_ =	shalt  }
0x72: {  	_ =	shalt  }
0x73: {  	_ =	shalt  }
0x74: {  	_ =	shalt  }
0x75: {  	_ =	shalt  }
0x76: {  	_ =	shalt  }
0x77: {  	_ =	shalt  }
0x78: {  	_ =	shalt  }
0x79: {  	_ =	shalt  }
0x7a: {  	_ =	shalt  }
0x7b: {  	_ =	shalt  }
0x7c: {  	_ =	shalt  }
0x7d: {  	_ =	shalt  }
0x7e: {  	_ =	shalt  }
0x7f: {  	_ =	shalt  }
0x80: {  	_ =	shalt  }
0x81: {  	_ =	shalt  }
0x82: {  	_ =	shalt  }
0x83: {  	_ =	shalt  }
0x84: {  	_ =	shalt  }
0x85: {  	_ =	shalt  }
0x86: {  	_ =	shalt  }
0x87: {  	_ =	shalt  }
.Lfunc_end0:
.L_simem_size_0:
called_computation_lowered:
.L_overlay_start_0:
0x88: {  	s2 =	sld [smem:$0x3FD9]  }
0x89: {  	s3 =	sld [smem:$0x3FFE];
	_ =	sdelay $0x1  }
0x8a: {  	s1 =	srdreg.scid  }
0x8b: {  	s0 =	sand.u32 $0x1, s1  }
0x8c: {  	s16 =	sshll.u32 s0, $0xA;
	s2 =	sadd.s32 s3, s2  }
0x8d: {  	s2 =	sadd.s32 s2, s16  }
0x8e: {  	[smem:$0x3FAE] =	sst s2  }
0x8f: {  	_ = 	snop  }
0x90: {  	(tm) =	ssettm $0x1  }
0x91: {  	s17 =	sld [smem:$0x3FFB];
	_ =	sdelay $0x3  }
0x92: {  	_ =	strace s17  }
0x93: {  	s2 =	sld [smem:$0x3FFC];
	_ =	sdelay $0x3  }
0x94: {  	_ =	strace s2  }
0x95: {  	s2 =	sld [smem:$0x3FFD];
	_ =	sdelay $0x3  }
0x96: {  	_ =	strace s2  }
0x97: {  	_ =	strace $0x8FFFFFFF  }
0x98: {  	s18 =	sld [smem:$0x3FDB];
	_ =	sdelay $0x1  }
0x99: {  	s19 =	simm.s32 $_scs_section_size  }
0x9a: {  	s4 =	simm.s32 $_size__tile_overlayer_lowered;
	s5 =	simm.s32 $_tile_overlayer_lowered  }
0x9b: {  	s22 =	simm.s32 $0x1BFF;
	s21 =	sshll.u32 s5, $0x1;
	s2 =	sadd.s32 s19, s18  }
0x9c: {  	s6 =	simm.s32 $0x0;
	s20 =	sshll.u32 s4, $0x1;
	s4 =	sadd.s32 s21, s2  }
0x9d: {  	[timem:s6], [sflag:s22] =	dma.local [hbm:s4], s20  }
0x9e: {  	_ =	swait.ge [sflag:s22], s20  }
0x9f: {  	s3 =	ssub.s32 $0x0, s20;
	[sflag:s22] =	ssyncset.done $0x0  }
0xa0: {  	[sflag:s22] =	ssyncadd.s32 s3;
	_ =	sdelay $0x1  }
0xa1: {  	s23 =	simm.s32 $0x1B8B  }
0xa2: {  	_ =	swait.ge [sflag:s23], $0x1  }
0xa3: {  	[sflag:s23] =	ssyncset.done $0x0  }
0xa4: {  	s25 =	simm.s32 $0x1B8E;
	s24 =	sld [smem:$0x3FFE];
	[sflag:s23] =	ssyncadd.s32 $0xFFFFFFFF  }
0xa5: {  	s26 =	simm.s32 $execute0_lowered;
	[smem:$0x3FD2] =	sst s25  }
0xa6: {  	s4 =	sshll.u32 s26, $0x1;
	_ =	strace $0x80000046;
	[dreg:$0x1] =	wrdreg $0xFFFFFFFF  }
0xa7: {  	s28 =	simm.s32 $_size_execute0_lowered;
	s2 =	sadd.s32 s2, s4;
	[dreg:$0x0] =	wrdreg $0x0  }
0xa8: {  	s4 =	sshll.u32 s28, $0x1;
	[dreg:$0x2] =	wrdreg s2  }
0xa9: {  	[dreg:$0x3] =	wrdreg s4  }
0xaa: {  	[dreg:$0x4] =	wrdreg $0xC0  }
0xab: {  	_ =	task [dreg:s6], $0x5FFFF  }
0xac: {  	[dreg:$0x1] =	wrdreg $0xFFFFFFFF  }
0xad: {  	[dreg:$0x0] =	wrdreg $0x60  }
0xae: {  	[dreg:$0x2] =	wrdreg s24  }
0xaf: {  	[dreg:$0x3] =	wrdreg $0x9  }
0xb0: {  	_ =	task.clear_ibuf [dreg:s6], $0x4FFFF;
	_ =	strace $0x90000046  }
0xb1: {  	s29 =	simm.s32 $0x9;
	_ =	strace $0x80000048  }
0xb2: {  	_ =	swait.ge [sflag:s29], $0x1  }
0xb3: {  	[sflag:s29] =	ssyncadd.s32 $0xFFFFFFFF  }
0xb4: {  	_ =	strace $0x90000048  }
0xb5: {  	_ =	sfence  }
0xb6: {  	s30 =	sld [smem:$0x0];
	_ =	sdelay $0x2  }
0xb7: {  	s31 =	sshll.u32 s1, $0xD;
	s1 =	sshrl.u32 s1, $0x2  }
0xb8: {  	s3 =	sand.u32 $0x4000, s31;
	s1 =	sadd.s32 s1, s30  }
0xb9: {  	s0 =	sor.u32 s3, s0;
	s1 =	sshll.u32 s1, $0x11  }
0xba: {  	s0 =	sor.u32 s1, s0  }
0xbb: {  	s0 =	sadd.s32 $0x8F2B, s0  }
0xbc: {  	[sflag:s0] =	ssyncadd.remote.s32 $0x1  }
0xbd: {  	_ =	sfence.sel $0xFFFF  }
0xbe: {  	[dreg:$0x0] =	wrdreg $0xFFFFFFFF;
	(pc) =	sbr.abs _section_cstart, $3  }
0xbf: {  	[dreg:$0x1] =	wrdreg $0xFFFFFFFF  }
0xc0: {  	_ =	task.clear_ibuf [dreg:s6], $0x2FFFF;
	_ =	strace $0x9FFFFFFF  }
0xc1: {  	(tm) =	ssettm $0x7FFFFFFF  }
tec
execute0_lowered:
.L_overlay_start_1:
0x0: {  	(tag) =	ssettag $0x1  }
0x1: {  	s4 =	rddreg [dreg:$0x0]  }
0x2: {  	s0 =	rddreg [dreg:$0x1]  }
0x3: {  	s1 =	stileid.u32;
	s2 =	srdreg.scid  }
0x4: {  	s11 =	simm.s32 $0x1;
	s12 =	simm.s32 $0x100;
	s13 =	simm.s32 $0x10000  }
0x5: {  	s14 =	simm.s32 $0x12800;
	s15 =	simm.s32 $0x1A800;
	s16 =	simm.s32 $0x1AC00  }
0x6: {  	s17 =	simm.s32 $0x0;
	s3 =	sshll.u32 s1, $0x10;
	s5 =	sshll.u32 s1, $0x7  }
0x7: {  	s6 =	sand.u32 $0x1, s2;
	s2 =	simm.s32 $0x0;
	s26 =	smul.u32 $0x5000, s1  }
0x8: {  	s9 =	sshll.u32 s1, $0x9;
	s5 =	sor.u32 s5, s3;
	s7 =	sshll.u32 s6, $0x7  }
0x9: {  	[smem:$0x7FF] =	sst s2;
	s10 =	sshll.u32 s6, $0x8;
	s6 =	ssub.s32 $0x2, s6  }
0xa: {  	s5 =	sand.u32 $0x80380, s5;
	s3 =	sor.u32 s7, s3;
	_ =	strace $0x80000047  }
0xb: {  	s9 =	sor.u32 s10, s9;
	s28 =	sshrl.u32 s6, $0x1;
	s10 =	simm.s32 $0x400  }
0xc: {  	s5 =	sshrl.u32 s5, $0x3;
	s3 =	sshrl.u32 s3, $0x3;
	s29 =	sadd.s32 s9, s4  }
0xd: {  	s30 =	ssub.s32 s6, s28;
	s9 =	simm.s32 $0x80;
	s5 =	sadd.s32 s5, s4  }
0xe: {  	s8 =	sadd.s32 s3, s4;
	s3 =	sor.u32 s7, s26;
	s6 =	sadd.s32 $0x4A000, s29  }
0xf: {  	s7 =	sadd.s32 $0x4A010, s29;
	s31 =	sshrl.u32 s3, $0x3;
	s3 =	sadd.s32 $0xA000, s5  }
0x10: {  	v0 =	vimm.f32 $0.0e+00;
	s5 =	sadd.s32 $0x2A000, s8;
	s8 =	smax.u32 s30, $0x1;
	s4 =	sadd.s32 s4, s31  }
.LBB2_1:
0x11: {  	[tilespmem:s2], [sflag:$0x1] =	stream.strided.gather [hbm4b:s3+s9], $0x10000, s10, s9, $0x38;
	[tilespmem:$0x1B000] =	vst v63  }
0x12: {  	_ =	swait.ge [sflag:s11], $0x10000  }
0x13: {  	[sflag:s11] =	ssyncset.done $0x0  }
0x14: {  	[sflag:s11] =	ssyncadd.s32 $0xFFFF0000  }
0x15: {  	[tilespmem:s13], [sflag:$0x1] =	stream.strided.gather [hbm4b:s4+s9], $0x2800, s12, s9, $0x38;
	[tilespmem:$0x1B000] =	vst v63  }
0x16: {  	_ =	swait.ge [sflag:s11], $0x2800  }
0x17: {  	[sflag:s11] =	ssyncset.done $0x0  }
0x18: {  	s18 =	simm.s32 $0x40;
	s19 =	simm.s32 $0x0;
	[sflag:s11] =	ssyncadd.s32 $0xFFFFD800  }
.LBB2_2:
0x19: {  	p0 =	sne.s32 s18, $0xFC0;
	[tilespmem:s19+$0x1A800] =	vst v0;
	s20 =	smov.u32 s18;
	s18 =	sadd.s32 $0x40, s18  }
.Ltmp0:
0x1a: {  	[tilespmem:s19+$0x1AC00] =	vst v0;
	(pc) =	sbr.rel @p0 .LBB2_2-.Ltmp0, $2  }
0x1b: {  	_ =	sdelay $0x2  }
0x1c: {  	s19 =	sshra.s32 s20, $0x2  }
0x1d: {  	[tilespmem:s19+$0x1A800] =	vst v0;
	s18 =	simm.s32 $0x0  }
0x1e: {  	[tilespmem:s19+$0x1AC00] =	vst v0;
	s19 =	simm.s32 $0x0;
	s20 =	simm.s32 $0x0;
	s21 =	simm.s32 $0x0  }
.LBB2_4:
0x1f: {  	s22 =	sshll.u32 s21, $0x4  }
0x20: {  	v1 =	vld [tilespmem:s22+$0x10000]  }
0x21: {  	s22 =	sand.u32 $0x1F0, s22  }
0x22: {  	v2 =	vld [tilespmem:s22+$0x10200]  }
0x23: {  	v3 =	vld [tilespmem:s22+$0x10400]  }
0x24: {  	v4 =	vld [tilespmem:s22+$0x10600]  }
0x25: {  	v5 =	vld [tilespmem:s22+$0x10800]  }
0x26: {  	v6 =	vld [tilespmem:s22+$0x10A00]  }
0x27: {  	v7 =	vld [tilespmem:s22+$0x10C00]  }
0x28: {  	v8 =	vld.idx.msk [tilespmem:v1+s2+$0x0], $0xffff  }
0x29: {  	v9 =	vld [tilespmem:s22+$0x10E00]  }
0x2a: {  	v10 =	vld.idx.msk [tilespmem:v2+s2+$0x0], $0xffff  }
0x2b: {  	v11 =	vld [tilespmem:s22+$0x11000]  }
0x2c: {  	v12 =	vld.idx.msk [tilespmem:v3+s2+$0x0], $0xffff  }
0x2d: {  	v13 =	vld [tilespmem:s22+$0x11200];
	v14 =	vadd.f32 $0.0e+00, v8  }
0x2e: {  	v15 =	vld.idx.msk [tilespmem:v4+s2+$0x0], $0xffff  }
0x2f: {  	v16 =	vld [tilespmem:s22+$0x11400];
	v14 =	vadd.f32 v10, v14  }
0x30: {  	v17 =	vld.idx.msk [tilespmem:v5+s2+$0x0], $0xffff  }
0x31: {  	v18 =	vld [tilespmem:s22+$0x11600];
	v14 =	vadd.f32 v12, v14  }
0x32: {  	v19 =	vld.idx.msk [tilespmem:v6+s2+$0x0], $0xffff  }
0x33: {  	v20 =	vld [tilespmem:s22+$0x11800];
	v14 =	vadd.f32 v15, v14  }
0x34: {  	v23 =	vld.idx.msk [tilespmem:v7+s2+$0x0], $0xffff;
	v21 =	vmul.f32 v8, v8;
	v22 =	vmul.f32 v10, v10  }
0x35: {  	v24 =	vld [tilespmem:s22+$0x11A00];
	v14 =	vadd.f32 v17, v14  }
0x36: {  	v25 =	vld.idx.msk [tilespmem:v9+s2+$0x0], $0xffff;
	v21 =	vadd.f32 v22, v21;
	v22 =	vmul.f32 v12, v12  }
0x37: {  	v26 =	vld [tilespmem:s22+$0x11C00];
	v14 =	vadd.f32 v19, v14  }
0x38: {  	v27 =	vld.idx.msk [tilespmem:v11+s2+$0x0], $0xffff;
	v21 =	vadd.f32 v22, v21;
	v22 =	vmul.f32 v15, v15  }
0x39: {  	v28 =	vld [tilespmem:s22+$0x11E00];
	v14 =	vadd.f32 v23, v14  }
0x3a: {  	v29 =	vld.idx.msk [tilespmem:v13+s2+$0x0], $0xffff;
	v21 =	vadd.f32 v22, v21;
	v22 =	vmul.f32 v17, v17  }
0x3b: {  	v30 =	vld [tilespmem:s22+$0x12000];
	v8 =	vmax.f32 v8, $-3.000000010e+38;
	v14 =	vadd.f32 v25, v14  }
0x3c: {  	v8 =	vmax.f32 v8, v10;
	v10 =	vld.idx.msk [tilespmem:v16+s2+$0x0], $0xffff;
	v21 =	vadd.f32 v22, v21;
	v22 =	vmul.f32 v19, v19  }
0x3d: {  	v31 =	vld [tilespmem:s22+$0x12200];
	v8 =	vmax.f32 v8, v12;
	v12 =	vadd.f32 v27, v14  }
0x3e: {  	v8 =	vmax.f32 v8, v15;
	v15 =	vadd.f32 v22, v21;
	v21 =	vmul.f32 v23, v23;
	v14 =	vld.idx.msk [tilespmem:v18+s2+$0x0], $0xffff  }
0x3f: {  	v8 =	vmax.f32 v8, v17;
	v17 =	vld.idx.msk [tilespmem:v20+s2+$0x0], $0xffff;
	v12 =	vadd.f32 v29, v12  }
0x40: {  	v8 =	vmax.f32 v8, v19;
	v19 =	vmul.f32 v25, v25;
	v22 =	vld [tilespmem:s22+$0x12400];
	v15 =	vadd.f32 v21, v15  }
0x41: {  	v8 =	vmax.f32 v8, v23;
	v21 =	vld [tilespmem:s22+$0x12600];
	v12 =	vadd.f32 v10, v12  }
0x42: {  	v8 =	vmax.f32 v8, v25;
	v23 =	vld.idx.msk [tilespmem:v24+s2+$0x0], $0xffff;
	v15 =	vadd.f32 v19, v15;
	v19 =	vmul.f32 v27, v27  }
0x43: {  	v8 =	vmax.f32 v8, v27;
	v12 =	vadd.f32 v14, v12  }
0x44: {  	v8 =	vmax.f32 v8, v29;
	v25 =	vld.idx.msk [tilespmem:v26+s2+$0x0], $0xffff;
	v15 =	vadd.f32 v19, v15;
	v19 =	vmul.f32 v29, v29  }
0x45: {  	v1 =	vadd.s32 $0x400, v1;
	v8 =	vmax.f32 v8, v10;
	v27 =	vld.idx.msk [tilespmem:v28+s2+$0x0], $0xffff;
	v12 =	vadd.f32 v17, v12  }
0x46: {  	v29 =	vld.idx.msk [tilespmem:v30+s2+$0x0], $0xffff;
	v15 =	vadd.f32 v19, v15;
	v10 =	vmul.f32 v10, v10;
	v8 =	vmax.f32 v8, v14  }
0x47: {  	v2 =	vadd.s32 $0x400, v2;
	v19 =	vld.idx.msk [tilespmem:v31+s2+$0x0], $0xffff;
	v8 =	vmax.f32 v8, v17;
	v12 =	vadd.f32 v23, v12  }
0x48: {  	v32 =	vld.idx.msk [tilespmem:v22+s2+$0x0], $0xffff;
	v10 =	vadd.f32 v10, v15;
	v14 =	vmul.f32 v14, v14;
	v8 =	vmax.f32 v8, v23  }
0x49: {  	v3 =	vadd.s32 $0x400, v3;
	v33 =	vld.idx.msk [tilespmem:v21+s2+$0x0], $0xffff;
	v8 =	vmax.f32 v8, v25;
	v12 =	vadd.f32 v25, v12  }
0x4a: {  	s31 =	sshll.u32 s20, $0x2;
	s23 =	sand.u32 $0x7, s19;
	v10 =	vadd.f32 v14, v10;
	v14 =	vmul.f32 v17, v17;
	v8 =	vmax.f32 v8, v27  }
0x4b: {  	s23 =	sshll.u32 s23, $0x6;
	v4 =	vadd.s32 $0x400, v4;
	s22 =	sand.u32 $0xFFFFFE00, s31;
	v8 =	vmax.f32 v8, v29;
	v12 =	vadd.f32 v27, v12  }
0x4c: {  	v5 =	vadd.s32 $0x400, v5;
	s22 =	sor.u32 s23, s22;
	v10 =	vadd.f32 v14, v10;
	v8 =	vmax.f32 v8, v19  }
0x4d: {  	s22 =	sshrl.u32 s22, $0x2;
	v14 =	vmul.f32 v23, v23;
	v8 =	vmax.f32 v8, v32;
	v12 =	vadd.f32 v29, v12  }
0x4e: {  	v6 =	vadd.s32 $0x400, v6;
	v7 =	vadd.s32 $0x400, v7;
	s22 =	sadd.s32 $0x12800, s22;
	v8 =	vmax.f32 v8, v33  }
0x4f: {  	s23 =	simm.s32 $0x1A800;
	v10 =	vadd.f32 v14, v10;
	v14 =	vmul.f32 v25, v25;
	[tilespmem:s22+$0x0] =	vst v8;
	v12 =	vadd.f32 v19, v12  }
0x50: {  	v36 =	vadd.s32 s18, v1;
	v37 =	vadd.s32 s18, v2;
	v15 =	vmul.f32 v27, v27;
	v17 =	vld [tilespmem:s23+$0x0]  }
0x51: {  	v8 =	vadd.s32 $0x400, v9;
	v14 =	vadd.f32 v14, v10;
	v23 =	vadd.f32 v32, v12  }
0x52: {  	v9 =	vadd.s32 $0x400, v11;
	v11 =	vadd.s32 $0x400, v16;
	v16 =	vmul.f32 v29, v29  }
0x53: {  	v15 =	vadd.f32 v15, v14;
	v12 =	vadd.s32 $0x400, v18;
	v18 =	vadd.f32 v33, v23  }
0x54: {  	v10 =	vadd.s32 $0x400, v13;
	v13 =	vadd.s32 $0x400, v20;
	v14 =	vadd.s32 $0x400, v24  }
0x55: {  	v20 =	vadd.f32 v16, v15;
	v19 =	vmul.f32 v19, v19;
	v23 =	vadd.f32 v17, v18  }
0x56: {  	v35 =	vadd.s32 s18, v6;
	v25 =	vmul.f32 v32, v32;
	v27 =	vadd.s32 s18, v14  }
0x57: {  	s24 =	simm.s32 $0x1AC00;
	v15 =	vadd.s32 $0x400, v26;
	v16 =	vadd.s32 $0x400, v28;
	v24 =	vadd.f32 v19, v20;
	[tilespmem:s23+$0x0] =	vst v23  }
0x58: {  	v28 =	vadd.s32 s18, v13;
	v26 =	vadd.s32 s18, v15;
	v19 =	vadd.s32 $0x400, v22;
	v34 =	vld [tilespmem:s24+$0x0]  }
0x59: {  	v29 =	vadd.f32 v25, v24;
	v17 =	vadd.s32 $0x400, v30;
	v30 =	vmul.f32 v33, v33  }
0x5a: {  	v20 =	vadd.s32 $0x400, v21;
	v32 =	vadd.s32 s18, v9;
	v22 =	vadd.s32 s18, v19  }
0x5b: {  	v21 =	vadd.s32 s18, v20;
	v25 =	vadd.s32 s18, v16;
	v33 =	vadd.f32 v30, v29  }
0x5c: {  	v18 =	vadd.s32 $0x400, v31;
	v31 =	vadd.s32 s18, v10;
	v24 =	vadd.s32 s18, v17  }
0x5d: {  	v23 =	vadd.s32 s18, v18;
	v30 =	vadd.s32 s18, v11;
	v38 =	vadd.f32 v34, v33  }
0x5e: {  	s25 =	simm.s32 $0x400;
	s26 =	simm.s32 $0x0;
	v29 =	vadd.s32 s18, v12;
	v34 =	vadd.s32 s18, v7;
	v33 =	vadd.s32 s18, v8  }
.LBB2_5:
0x5f: {  	v39 =	vadd.s32 s26, v3;
	v40 =	vadd.s32 s26, v4;
	v41 =	vadd.s32 s26, v5;
	[tilespmem:s24+$0x0] =	vst v38;
	s23 =	sadd.s32 $0x10, s23;
	s24 =	sadd.s32 $0x10, s24;
	s22 =	sadd.s32 $0x200, s22  }
0x60: {  	p0 =	sne.s32 s25, $0xFC00;
	s26 =	smov.u32 s25;
	s25 =	sadd.s32 $0x400, s25;
	v36 =	vld.idx.msk [tilespmem:v36+s2+$0x0], $0xffff  }
0x61: {  	_ = 	snop  }
0x62: {  	v37 =	vld.idx.msk [tilespmem:v37+s2+$0x0], $0xffff;
	_ =	sdelay $0x1  }
0x63: {  	v38 =	vld.idx.msk [tilespmem:v39+s2+$0x0], $0xffff;
	_ =	sdelay $0x1  }
0x64: {  	v39 =	vmax.f32 v36, $-3.000000010e+38;
	v42 =	vadd.f32 $0.0e+00, v36;
	v36 =	vmul.f32 v36, v36;
	v40 =	vld.idx.msk [tilespmem:v40+s2+$0x0], $0xffff;
	_ =	sdelay $0x1  }
0x65: {  	v39 =	vmax.f32 v39, v37;
	v42 =	vadd.f32 v37, v42;
	v37 =	vmul.f32 v37, v37;
	v41 =	vld.idx.msk [tilespmem:v41+s2+$0x0], $0xffff;
	_ =	sdelay $0x1  }
0x66: {  	v36 =	vadd.f32 v37, v36;
	v37 =	vadd.f32 v38, v42;
	v42 =	vmul.f32 v38, v38;
	v35 =	vld.idx.msk [tilespmem:v35+s2+$0x0], $0xffff  }
0x67: {  	v38 =	vmax.f32 v39, v38;
	v34 =	vld.idx.msk [tilespmem:v34+s2+$0x0], $0xffff  }
0x68: {  	v36 =	vadd.f32 v42, v36;
	v37 =	vadd.f32 v40, v37;
	v39 =	vmul.f32 v40, v40;
	v33 =	vld.idx.msk [tilespmem:v33+s2+$0x0], $0xffff  }
0x69: {  	v38 =	vmax.f32 v38, v40;
	v32 =	vld.idx.msk [tilespmem:v32+s2+$0x0], $0xffff  }
0x6a: {  	v36 =	vadd.f32 v39, v36;
	v37 =	vadd.f32 v41, v37;
	v39 =	vmul.f32 v41, v41;
	v31 =	vld.idx.msk [tilespmem:v31+s2+$0x0], $0xffff  }
0x6b: {  	v38 =	vmax.f32 v38, v41;
	v30 =	vld.idx.msk [tilespmem:v30+s2+$0x0], $0xffff  }
0x6c: {  	v36 =	vadd.f32 v39, v36;
	v38 =	vmax.f32 v38, v35;
	v37 =	vadd.f32 v35, v37;
	v29 =	vld.idx.msk [tilespmem:v29+s2+$0x0], $0xffff  }
0x6d: {  	v35 =	vmul.f32 v35, v35;
	v38 =	vmax.f32 v38, v34;
	v28 =	vld.idx.msk [tilespmem:v28+s2+$0x0], $0xffff  }
0x6e: {  	v37 =	vadd.f32 v34, v37;
	v38 =	vmax.f32 v38, v33;
	v27 =	vld.idx.msk [tilespmem:v27+s2+$0x0], $0xffff  }
0x6f: {  	v35 =	vadd.f32 v35, v36;
	v34 =	vmul.f32 v34, v34;
	v36 =	vmax.f32 v38, v32;
	v26 =	vld.idx.msk [tilespmem:v26+s2+$0x0], $0xffff  }
0x70: {  	v37 =	vadd.f32 v33, v37;
	v36 =	vmax.f32 v36, v31;
	v25 =	vld.idx.msk [tilespmem:v25+s2+$0x0], $0xffff  }
0x71: {  	v34 =	vadd.f32 v34, v35;
	v33 =	vmul.f32 v33, v33;
	v35 =	vmax.f32 v36, v30;
	v24 =	vld.idx.msk [tilespmem:v24+s2+$0x0], $0xffff  }
0x72: {  	v36 =	vadd.f32 v32, v37;
	v35 =	vmax.f32 v35, v29;
	v23 =	vld.idx.msk [tilespmem:v23+s2+$0x0], $0xffff  }
0x73: {  	v33 =	vadd.f32 v33, v34;
	v32 =	vmul.f32 v32, v32;
	v34 =	vmax.f32 v35, v28;
	v22 =	vld.idx.msk [tilespmem:v22+s2+$0x0], $0xffff  }
0x74: {  	v35 =	vadd.f32 v31, v36;
	v34 =	vmax.f32 v34, v27;
	v36 =	vld.idx.msk [tilespmem:v21+s2+$0x0], $0xffff  }
0x75: {  	v31 =	vmul.f32 v31, v31;
	v21 =	vadd.f32 v32, v33;
	v32 =	vmax.f32 v34, v26  }
0x76: {  	v33 =	vadd.f32 v30, v35;
	v32 =	vmax.f32 v32, v25  }
0x77: {  	v30 =	vmul.f32 v30, v30;
	v21 =	vadd.f32 v31, v21;
	v31 =	vmax.f32 v32, v24  }
0x78: {  	v32 =	vadd.f32 v29, v33;
	v31 =	vmax.f32 v31, v23  }
0x79: {  	v29 =	vmul.f32 v29, v29;
	v21 =	vadd.f32 v30, v21;
	v30 =	vmax.f32 v31, v22  }
0x7a: {  	v31 =	vadd.f32 v28, v32;
	v30 =	vmax.f32 v30, v36  }
0x7b: {  	v28 =	vmul.f32 v28, v28;
	v21 =	vadd.f32 v29, v21;
	[tilespmem:s22+$0x0] =	vst v30  }
0x7c: {  	v29 =	vadd.f32 v27, v31  }
0x7d: {  	v27 =	vmul.f32 v27, v27;
	v21 =	vadd.f32 v28, v21  }
0x7e: {  	v28 =	vadd.f32 v26, v29  }
0x7f: {  	v26 =	vmul.f32 v26, v26;
	v21 =	vadd.f32 v27, v21  }
0x80: {  	v27 =	vadd.f32 v25, v28  }
0x81: {  	v25 =	vmul.f32 v25, v25;
	v21 =	vadd.f32 v26, v21  }
0x82: {  	v26 =	vadd.f32 v24, v27  }
0x83: {  	v24 =	vmul.f32 v24, v24;
	v21 =	vadd.f32 v25, v21  }
0x84: {  	v25 =	vadd.f32 v23, v26  }
0x85: {  	v23 =	vmul.f32 v23, v23;
	v21 =	vadd.f32 v24, v21;
	v24 =	vld [tilespmem:s23+$0x0]  }
0x86: {  	v25 =	vadd.f32 v22, v25  }
0x87: {  	v22 =	vmul.f32 v22, v22;
	v21 =	vadd.f32 v23, v21  }
0x88: {  	v23 =	vadd.f32 v36, v25  }
0x89: {  	v29 =	vadd.f32 v22, v21  }
0x8a: {  	v21 =	vadd.f32 v24, v23;
	_ =	sdelay $0x1  }
0x8b: {  	[tilespmem:s23+$0x0] =	vst v21  }
0x8c: {  	v22 =	vadd.s32 s26, v19;
	v21 =	vadd.s32 s26, v20;
	v33 =	vld [tilespmem:s24+$0x0]  }
0x8d: {  	v30 =	vmul.f32 v36, v36;
	v24 =	vadd.s32 s26, v17;
	v23 =	vadd.s32 s26, v18  }
.Ltmp1:
0x8e: {  	v27 =	vadd.s32 s26, v14;
	v26 =	vadd.s32 s26, v15;
	v25 =	vadd.s32 s26, v16;
	(pc) =	sbr.rel @p0 .LBB2_5-.Ltmp1, $4  }
0x8f: {  	v28 =	vadd.s32 s26, v13;
	v36 =	vadd.s32 s26, v1;
	v34 =	vadd.f32 v30, v29  }
0x90: {  	v31 =	vadd.s32 s26, v10;
	v30 =	vadd.s32 s26, v11;
	v29 =	vadd.s32 s26, v12  }
0x91: {  	v37 =	vadd.s32 s26, v2;
	v32 =	vadd.s32 s26, v9;
	v38 =	vadd.f32 v33, v34  }
0x92: {  	v35 =	vadd.s32 s26, v6;
	v34 =	vadd.s32 s26, v7;
	v33 =	vadd.s32 s26, v8  }
0x93: {  	s21 =	sadd.s32 $0x1, s21  }
0x94: {  	p0 =	sne.s32 s21, $0x20  }
.Ltmp2:
0x95: {  	_ = 	snop;
	(pc) =	sbr.rel @p0 .LBB2_4-.Ltmp2, $2  }
0x96: {  	_ =	sdelay $0x2  }
0x97: {  	[tilespmem:s24+$0x0] =	vst v38;
	s20 =	sadd.s32 $0x10, s20;
	s19 =	sadd.s32 $0x1, s19  }
0x98: {  	[hbm4b:s5+s9] =	stream.strided.scatter [tilespmem:s14], [sflag:$0x1], $0x8000, s12, s9, $0x38;
	[tilespmem:$0x1B000] =	vst v63  }
0x99: {  	_ =	swait.ge [sflag:s11], $0x8000  }
0x9a: {  	[sflag:s11] =	ssyncset.done $0x0  }
0x9b: {  	[sflag:s11] =	ssyncadd.s32 $0xFFFF8000  }
0x9c: {  	[hbm4b:s6+s9] =	stream.strided.scatter [tilespmem:s15], [sflag:$0x1], $0x400, s12, s9, $0x38;
	[tilespmem:$0x1B000] =	vst v63  }
0x9d: {  	s17 =	sadd.s32 $0x1, s17;
	_ =	swait.ge [sflag:s11], $0x400  }
0x9e: {  	p0 =	sne.s32 s17, s8;
	[sflag:s11] =	ssyncset.done $0x0  }
.Ltmp3:
0x9f: {  	[sflag:s11] =	ssyncadd.s32 $0xFFFFFC00;
	(pc) =	sbr.rel @p0 .LBB2_1-.Ltmp3, $4  }
0xa0: {  	[hbm4b:s7+s9] =	stream.strided.scatter [tilespmem:s16], [sflag:$0x1], $0x400, s12, s9, $0x38;
	[tilespmem:$0x1B000] =	vst v63  }
0xa1: {  	_ =	swait.ge [sflag:s11], $0x400  }
0xa2: {  	[sflag:s11] =	ssyncset.done $0x0  }
0xa3: {  	[sflag:s11] =	ssyncadd.s32 $0xFFFFFC00  }
0xa4: {  	_ =	sfence.sel $0x180000  }
0xa5: {  	[bflag:$0x0] =	sbarrier.arrive $0xFFFF  }
0xa6: {  	p0 =	sne.s32 s1, $0x0;
	_ =	strace $0x90000047  }
0xa7: {  	s0 =	sadd.s32 @!p0 $0x100000, s0;
	[bflag:$0x2] =	sbarrier.arrive $0xFFFF  }
0xa8: {  	[sflag:s0] =	ssyncadd.tile.s32 @!p0 $0x1;
	_ =	shalt  }
.Lfunc_end2:
_tile_overlayer_lowered:
.L_overlay_start_2:
0xa9: {  	(tag) =	ssettag $0x2  }
0xaa: {  	s0 =	rddreg [dreg:$0x0];
	s2 =	stileid.u32  }
0xab: {  	s1 =	rddreg [dreg:$0x1];
	p0 =	sne.s32 s2, $0x0  }
0xac: {  	s3 =	rddreg [dreg:$0x2];
	[bflag:$0x3] =	sbarrier.arrive $0xFFFF;
	s2 =	simm.s32 @!p0 $0x1C01  }
0xad: {  	[timem:s3], [sflag:s2] =	dma.local @!p0 [hbm:s0], s1  }
0xae: {  	s0 =	simm.s32 @!p0 $0x1  }
0xaf: {  	_ =	swait.ge @!p0 [sflag:s0], s1  }
0xb0: {  	s1 =	ssub.s32 @!p0 $0x0, s1;
	[sflag:s0] =	ssyncset.done @!p0 $0x0  }
0xb1: {  	[sflag:s0] =	ssyncadd.s32 @!p0 s1  }
0xb2: {  	[bflag:$0x3] =	sbarrier.arrive $0xFFFF  }
0xb3: {  	_ =	shalt  }

</sc_bundles>
